<compile_context>
chip_gen: v7x
topology: tpu7x:2x2x1
jax: 0.10.2.dev20260603
libtpu: 0.0.44.dev20260713+nightly
codegen_flags: <defaults>
</compile_context>

<pallas_src>
import functools

import jax
import jax.numpy as jnp
from jax import lax
from jax.experimental import pallas as pl
from jax.experimental.pallas import tpu as pltpu
from jax.experimental.pallas import tpu_sc as plsc

_LANES = 16
_NUM_CORES = 2
_NUM_SUBCORES = 16
_NW = _NUM_CORES * _NUM_SUBCORES


def _make_sc_kernel(batch, feat_dim):
    rows_per_w = batch // _NW
    chunk = 128
    nchunk = rows_per_w // chunk
    nbuf = 2
    vecs_per_row = feat_dim // _LANES

    mesh = plsc.VectorSubcoreMesh(core_axis_name="c", subcore_axis_name="s")

    @functools.partial(
        pl.kernel,
        out_type=jax.ShapeDtypeStruct((_NW * _LANES,), jnp.float32),
        mesh=mesh,
        scratch_types=(
            [pltpu.VMEM((rows_per_w,), jnp.int32),
             pltpu.VMEM((nbuf, chunk, feat_dim), jnp.float32),
             pltpu.VMEM((rows_per_w, feat_dim), jnp.float32),
             pltpu.VMEM((_LANES,), jnp.float32)]
            + [pltpu.SemaphoreType.DMA] * (nbuf + nchunk)
        ),
    )
    def sc_kernel(feat_hbm, labels_hbm, centers_hbm, out_hbm,
                  idx_v, cent_v, feat_v, acc_v, *sems):
        gsems, fsems = sems[:nbuf], sems[nbuf:]
        wid = lax.axis_index("s") * _NUM_CORES + lax.axis_index("c")
        base = wid * rows_per_w

        def start_feat(ch):
            sl = pl.ds(ch * chunk, chunk)
            return pltpu.async_copy(
                feat_hbm.at[pl.ds(base + ch * chunk, chunk)],
                feat_v.at[sl], fsems[ch])

        def start_gather(ch):
            return pltpu.async_copy(
                centers_hbm.at[idx_v.at[pl.ds(ch * chunk, chunk)]],
                cent_v.at[ch % nbuf], gsems[ch % nbuf])

        fcopies = [start_feat(ch) for ch in range(nchunk)]
        pltpu.sync_copy(labels_hbm.at[pl.ds(base, rows_per_w)], idx_v)

        gathers = [None] * nchunk
        for ch in range(nbuf):
            gathers[ch] = start_gather(ch)

        accs = tuple(jnp.zeros((_LANES,), jnp.float32)
                     for _ in range(vecs_per_row))
        for ch in range(nchunk):
            b = ch % nbuf
            gathers[ch].wait()
            fcopies[ch].wait()
            if ch + nbuf < nchunk:
                gathers[ch + nbuf] = start_gather(ch + nbuf)
            row_off = ch * chunk

            @plsc.parallel_loop(0, chunk, 1, unroll=2, carry=accs)
            def row_body(r, accs, b=b, row_off=row_off):
                out = list(accs)
                for j in range(vecs_per_row):
                    f = feat_v[row_off + r, pl.ds(j * _LANES, _LANES)]
                    c = cent_v[b, r, pl.ds(j * _LANES, _LANES)]
                    d = f - c
                    out[j] = out[j] + d * d
                return tuple(out)

            accs = row_body

        total = accs[0]
        for j in range(1, vecs_per_row):
            total = total + accs[j]
        acc_v[...] = total
        pltpu.sync_copy(acc_v, out_hbm.at[pl.ds(wid * _LANES, _LANES)])

    return sc_kernel


def kernel(features, labels, centers):
    batch, feat_dim = features.shape
    sc = _make_sc_kernel(batch, feat_dim)
    partials = sc(features, labels.astype(jnp.int32), centers)
    return jnp.sum(partials) / jnp.float32(batch)

# --- scband reference (transcript-rebuilt; emitter-appended) ---
"""Pipeline reference for scband-center-loss-83846351552711 (READ-ONLY COPY).

The authoritative reference and input builder live on the scoring server;
editing this copy changes nothing except your own understanding.
"""

import jax, jax.numpy as jnp
import numpy as np

NUM_CLASSES = 100000
FEAT_DIM = 128
BATCH = 16384

def _xavier_uniform(key, shape):
    fan_in, fan_out = shape[1], shape[0]
    limit = float(np.sqrt(6.0 / (fan_in + fan_out)))
    return jax.random.uniform(key, shape, dtype=jnp.float32, minval=-limit, maxval=limit)

def setup_inputs(seed: int = 0) -> dict:
    key = jax.random.key(seed)
    k1, k2, k3 = jax.random.split(key, 3)
    features = jax.random.normal(k1, (BATCH, FEAT_DIM), dtype=jnp.float32)
    labels = jax.random.randint(k2, (BATCH,), 0, NUM_CLASSES, dtype=jnp.int64 if jax.config.jax_enable_x64 else jnp.int32)
    centers = _xavier_uniform(k3, (NUM_CLASSES, FEAT_DIM))
    return {"features": features, "labels": labels, "centers": centers}

def reference(features, labels, centers):
    # centers_batch = self.centers[labels]  -> SparseCore-style gather
    centers_batch = jnp.take(centers, labels, axis=0)
    diff = features - centers_batch
    loss = jnp.sum(diff * diff, axis=1).mean()
    return loss

if __name__ == "__main__":
    import jax
    _d = setup_inputs()
    print(jax.jit(kernel)(*tuple(_d.values())))

</pallas_src>

<mosaic_0001>
#map = affine_map<(d0, d1) -> (0, 0)>
#map1 = affine_map<(d0, d1) -> (0)>
module attributes {stable_mosaic.version = 14 : i64} {
  func.func @sc_kernel(%arg0: i32, %arg1: i32, %arg2: memref<16384x128xf32, #tpu.memory_space<hbm>>, %arg3: memref<16384xi32, #tpu.memory_space<hbm>>, %arg4: memref<100000x128xf32, #tpu.memory_space<hbm>>, %arg5: memref<512xf32, #tpu.memory_space<hbm>>, %arg6: memref<512xi32, #tpu.memory_space<vmem>>, %arg7: memref<2x128x128xf32, #tpu.memory_space<vmem>>, %arg8: memref<512x128xf32, #tpu.memory_space<vmem>>, %arg9: memref<16xf32, #tpu.memory_space<vmem>>, %arg10: memref<!tpu.dma_semaphore, #tpu.memory_space<semaphore_mem>>, %arg11: memref<!tpu.dma_semaphore, #tpu.memory_space<semaphore_mem>>, %arg12: memref<!tpu.dma_semaphore, #tpu.memory_space<semaphore_mem>>, %arg13: memref<!tpu.dma_semaphore, #tpu.memory_space<semaphore_mem>>, %arg14: memref<!tpu.dma_semaphore, #tpu.memory_space<semaphore_mem>>, %arg15: memref<!tpu.dma_semaphore, #tpu.memory_space<semaphore_mem>>) attributes {dimension_semantics = [#tpu.dimension_semantics<core_parallel>, #tpu.dimension_semantics<subcore_parallel>], iteration_bounds = array<i64: 2, 16>, scalar_prefetch = 0 : i64, scratch_operands = 10 : i64, tpu.core_type = #tpu.core_type<sc_vector_subcore>, window_params = [{transform_indices = #map}, {transform_indices = #map1}, {transform_indices = #map}, {transform_indices = #map1}]} {
    %mul3A = arith.constant 2 : i32
    %mul3A_0 = arith.muli %arg1, %mul3A : i32
    %add3A = arith.addi %mul3A_0, %arg0 : i32
    %mul3A_1 = arith.constant 512 : i32
    %mul3A_2 = arith.muli %add3A, %mul3A_1 : i32
    %add3A_3 = arith.constant 0 : i32
    %add3A_4 = arith.addi %mul3A_2, %add3A_3 : i32
    %dma_start3A = arith.constant 0 : i32
    %dma_start3A_5 = arith.constant 0 : i32
    %dma_start3A_6 = tpu.memref_slice %arg8[%dma_start3A, %dma_start3A_5] : memref<512x128xf32, #tpu.memory_space<vmem>> -> memref<128x128xf32, #tpu.memory_space<vmem>>
    %dma_start3A_7 = arith.constant 0 : i32
    %dma_start3A_8 = tpu.memref_slice %arg2[%add3A_4, %dma_start3A_7] : memref<16384x128xf32, #tpu.memory_space<hbm>> -> memref<128x128xf32, #tpu.memory_space<hbm>>
    %dma_start3A_9 = arith.constant 0 : i32
    %dma_start3A_10 = arith.constant 0 : i32
    %dma_start3A_11 = tpu.memref_slice %arg8[%dma_start3A_9, %dma_start3A_10] : memref<512x128xf32, #tpu.memory_space<vmem>> -> memref<128x128xf32, #tpu.memory_space<vmem>>
    %dma_start3A_12 = arith.constant 0 : i32
    %dma_start3A_13 = tpu.memref_slice %arg2[%add3A_4, %dma_start3A_12] : memref<16384x128xf32, #tpu.memory_space<hbm>> -> memref<128x128xf32, #tpu.memory_space<hbm>>
    tpu.enqueue_dma source(%dma_start3A_13 : memref<128x128xf32, #tpu.memory_space<hbm>>) target(%dma_start3A_11 : memref<128x128xf32, #tpu.memory_space<vmem>>) target_semaphore(%arg12 : memref<!tpu.dma_semaphore, #tpu.memory_space<semaphore_mem>>)
    %add3A_14 = arith.constant 128 : i32
    %add3A_15 = arith.addi %mul3A_2, %add3A_14 : i32
    %dma_start3A_16 = arith.constant 128 : i32
    %dma_start3A_17 = arith.constant 0 : i32
    %dma_start3A_18 = tpu.memref_slice %arg8[%dma_start3A_16, %dma_start3A_17] : memref<512x128xf32, #tpu.memory_space<vmem>> -> memref<128x128xf32, #tpu.memory_space<vmem>>
    %dma_start3A_19 = arith.constant 0 : i32
    %dma_start3A_20 = tpu.memref_slice %arg2[%add3A_15, %dma_start3A_19] : memref<16384x128xf32, #tpu.memory_space<hbm>> -> memref<128x128xf32, #tpu.memory_space<hbm>>
    %dma_start3A_21 = arith.constant 128 : i32
    %dma_start3A_22 = arith.constant 0 : i32
    %dma_start3A_23 = tpu.memref_slice %arg8[%dma_start3A_21, %dma_start3A_22] : memref<512x128xf32, #tpu.memory_space<vmem>> -> memref<128x128xf32, #tpu.memory_space<vmem>>
    %dma_start3A_24 = arith.constant 0 : i32
    %dma_start3A_25 = tpu.memref_slice %arg2[%add3A_15, %dma_start3A_24] : memref<16384x128xf32, #tpu.memory_space<hbm>> -> memref<128x128xf32, #tpu.memory_space<hbm>>
    tpu.enqueue_dma source(%dma_start3A_25 : memref<128x128xf32, #tpu.memory_space<hbm>>) target(%dma_start3A_23 : memref<128x128xf32, #tpu.memory_space<vmem>>) target_semaphore(%arg13 : memref<!tpu.dma_semaphore, #tpu.memory_space<semaphore_mem>>)
    %add3A_26 = arith.constant 256 : i32
    %add3A_27 = arith.addi %mul3A_2, %add3A_26 : i32
    %dma_start3A_28 = arith.constant 256 : i32
    %dma_start3A_29 = arith.constant 0 : i32
    %dma_start3A_30 = tpu.memref_slice %arg8[%dma_start3A_28, %dma_start3A_29] : memref<512x128xf32, #tpu.memory_space<vmem>> -> memref<128x128xf32, #tpu.memory_space<vmem>>
    %dma_start3A_31 = arith.constant 0 : i32
    %dma_start3A_32 = tpu.memref_slice %arg2[%add3A_27, %dma_start3A_31] : memref<16384x128xf32, #tpu.memory_space<hbm>> -> memref<128x128xf32, #tpu.memory_space<hbm>>
    %dma_start3A_33 = arith.constant 256 : i32
    %dma_start3A_34 = arith.constant 0 : i32
    %dma_start3A_35 = tpu.memref_slice %arg8[%dma_start3A_33, %dma_start3A_34] : memref<512x128xf32, #tpu.memory_space<vmem>> -> memref<128x128xf32, #tpu.memory_space<vmem>>
    %dma_start3A_36 = arith.constant 0 : i32
    %dma_start3A_37 = tpu.memref_slice %arg2[%add3A_27, %dma_start3A_36] : memref<16384x128xf32, #tpu.memory_space<hbm>> -> memref<128x128xf32, #tpu.memory_space<hbm>>
    tpu.enqueue_dma source(%dma_start3A_37 : memref<128x128xf32, #tpu.memory_space<hbm>>) target(%dma_start3A_35 : memref<128x128xf32, #tpu.memory_space<vmem>>) target_semaphore(%arg14 : memref<!tpu.dma_semaphore, #tpu.memory_space<semaphore_mem>>)
    %add3A_38 = arith.constant 384 : i32
    %add3A_39 = arith.addi %mul3A_2, %add3A_38 : i32
    %dma_start3A_40 = arith.constant 384 : i32
    %dma_start3A_41 = arith.constant 0 : i32
    %dma_start3A_42 = tpu.memref_slice %arg8[%dma_start3A_40, %dma_start3A_41] : memref<512x128xf32, #tpu.memory_space<vmem>> -> memref<128x128xf32, #tpu.memory_space<vmem>>
    %dma_start3A_43 = arith.constant 0 : i32
    %dma_start3A_44 = tpu.memref_slice %arg2[%add3A_39, %dma_start3A_43] : memref<16384x128xf32, #tpu.memory_space<hbm>> -> memref<128x128xf32, #tpu.memory_space<hbm>>
    %dma_start3A_45 = arith.constant 384 : i32
    %dma_start3A_46 = arith.constant 0 : i32
    %dma_start3A_47 = tpu.memref_slice %arg8[%dma_start3A_45, %dma_start3A_46] : memref<512x128xf32, #tpu.memory_space<vmem>> -> memref<128x128xf32, #tpu.memory_space<vmem>>
    %dma_start3A_48 = arith.constant 0 : i32
    %dma_start3A_49 = tpu.memref_slice %arg2[%add3A_39, %dma_start3A_48] : memref<16384x128xf32, #tpu.memory_space<hbm>> -> memref<128x128xf32, #tpu.memory_space<hbm>>
    tpu.enqueue_dma source(%dma_start3A_49 : memref<128x128xf32, #tpu.memory_space<hbm>>) target(%dma_start3A_47 : memref<128x128xf32, #tpu.memory_space<vmem>>) target_semaphore(%arg15 : memref<!tpu.dma_semaphore, #tpu.memory_space<semaphore_mem>>)
    "tpu.region"() ({
      %run_scoped3A = tpu.sem_alloc : memref<!tpu.dma_semaphore, #tpu.memory_space<semaphore_mem>>
      %dma_start3A_211 = tpu.memref_slice %arg3[%mul3A_2] : memref<16384xi32, #tpu.memory_space<hbm>> -> memref<512xi32, #tpu.memory_space<hbm>>
      %dma_start3A_212 = tpu.memref_slice %arg3[%mul3A_2] : memref<16384xi32, #tpu.memory_space<hbm>> -> memref<512xi32, #tpu.memory_space<hbm>>
      tpu.enqueue_dma source(%dma_start3A_212 : memref<512xi32, #tpu.memory_space<hbm>>) target(%arg6 : memref<512xi32, #tpu.memory_space<vmem>>) target_semaphore(%run_scoped3A : memref<!tpu.dma_semaphore, #tpu.memory_space<semaphore_mem>>)
      %dma_wait3A_213 = tpu.memref_slice %arg3[%mul3A_2] : memref<16384xi32, #tpu.memory_space<hbm>> -> memref<512xi32, #tpu.memory_space<hbm>>
      %dma_wait3A_214 = tpu.memref_slice %arg3[%mul3A_2] : memref<16384xi32, #tpu.memory_space<hbm>> -> memref<512xi32, #tpu.memory_space<hbm>>
      tpu.wait_dma2 semaphore(%run_scoped3A : memref<!tpu.dma_semaphore, #tpu.memory_space<semaphore_mem>>) src(%dma_wait3A_214 : memref<512xi32, #tpu.memory_space<hbm>>) dst(%arg6 : memref<512xi32, #tpu.memory_space<vmem>>)
      tpu.yield
    }) : () -> ()
    %dma_start3A_50 = arith.constant 0 : i32
    %dma_start3A_51 = arith.constant 0 : i32
    %dma_start3A_52 = arith.constant 0 : i32
    %dma_start3A_53 = tpu.memref_slice %arg7[%dma_start3A_50, %dma_start3A_51, %dma_start3A_52] : memref<2x128x128xf32, #tpu.memory_space<vmem>> -> memref<1x128x128xf32, #tpu.memory_space<vmem>>
    %dma_start3A_54 = tpu.memref_squeeze %dma_start3A_53 : memref<1x128x128xf32, #tpu.memory_space<vmem>> -> memref<128x128xf32, #tpu.memory_space<vmem>>
    %dma_start3A_55 = arith.constant 0 : i32
    %dma_start3A_56 = tpu.memref_slice %arg6[%dma_start3A_55] : memref<512xi32, #tpu.memory_space<vmem>> -> memref<128xi32, #tpu.memory_space<vmem>>
    %dma_start3A_57 = arith.constant 0 : i32
    %dma_start3A_58 = arith.constant 0 : i32
    %dma_start3A_59 = tpu.memref_slice %arg4[%dma_start3A_57, %dma_start3A_58] : memref<100000x128xf32, #tpu.memory_space<hbm>> -> memref<100000x128xf32, #tpu.memory_space<hbm>>
    tpu.enqueue_indirect_dma source(%dma_start3A_59 : memref<100000x128xf32, #tpu.memory_space<hbm>>) target(%dma_start3A_54 : memref<128x128xf32, #tpu.memory_space<vmem>>) offsets(%dma_start3A_56 : memref<128xi32, #tpu.memory_space<vmem>>) semaphore(%arg10 : memref<!tpu.dma_semaphore, #tpu.memory_space<semaphore_mem>>)
    %dma_start3A_60 = arith.constant 1 : i32
    %dma_start3A_61 = arith.constant 0 : i32
    %dma_start3A_62 = arith.constant 0 : i32
    %dma_start3A_63 = tpu.memref_slice %arg7[%dma_start3A_60, %dma_start3A_61, %dma_start3A_62] : memref<2x128x128xf32, #tpu.memory_space<vmem>> -> memref<1x128x128xf32, #tpu.memory_space<vmem>>
    %dma_start3A_64 = tpu.memref_squeeze %dma_start3A_63 : memref<1x128x128xf32, #tpu.memory_space<vmem>> -> memref<128x128xf32, #tpu.memory_space<vmem>>
    %dma_start3A_65 = arith.constant 128 : i32
    %dma_start3A_66 = tpu.memref_slice %arg6[%dma_start3A_65] : memref<512xi32, #tpu.memory_space<vmem>> -> memref<128xi32, #tpu.memory_space<vmem>>
    %dma_start3A_67 = arith.constant 0 : i32
    %dma_start3A_68 = arith.constant 0 : i32
    %dma_start3A_69 = tpu.memref_slice %arg4[%dma_start3A_67, %dma_start3A_68] : memref<100000x128xf32, #tpu.memory_space<hbm>> -> memref<100000x128xf32, #tpu.memory_space<hbm>>
    tpu.enqueue_indirect_dma source(%dma_start3A_69 : memref<100000x128xf32, #tpu.memory_space<hbm>>) target(%dma_start3A_64 : memref<128x128xf32, #tpu.memory_space<vmem>>) offsets(%dma_start3A_66 : memref<128xi32, #tpu.memory_space<vmem>>) semaphore(%arg11 : memref<!tpu.dma_semaphore, #tpu.memory_space<semaphore_mem>>)
    %broadcast_in_dim3A = arith.constant 0.000000e+00 : f32
    %broadcast_in_dim3A_70 = vector.broadcast %broadcast_in_dim3A : f32 to vector<16xf32>
    %broadcast_in_dim3A_71 = arith.constant 0.000000e+00 : f32
    %broadcast_in_dim3A_72 = vector.broadcast %broadcast_in_dim3A_71 : f32 to vector<16xf32>
    %broadcast_in_dim3A_73 = arith.constant 0.000000e+00 : f32
    %broadcast_in_dim3A_74 = vector.broadcast %broadcast_in_dim3A_73 : f32 to vector<16xf32>
    %broadcast_in_dim3A_75 = arith.constant 0.000000e+00 : f32
    %broadcast_in_dim3A_76 = vector.broadcast %broadcast_in_dim3A_75 : f32 to vector<16xf32>
    %broadcast_in_dim3A_77 = arith.constant 0.000000e+00 : f32
    %broadcast_in_dim3A_78 = vector.broadcast %broadcast_in_dim3A_77 : f32 to vector<16xf32>
    %broadcast_in_dim3A_79 = arith.constant 0.000000e+00 : f32
    %broadcast_in_dim3A_80 = vector.broadcast %broadcast_in_dim3A_79 : f32 to vector<16xf32>
    %broadcast_in_dim3A_81 = arith.constant 0.000000e+00 : f32
    %broadcast_in_dim3A_82 = vector.broadcast %broadcast_in_dim3A_81 : f32 to vector<16xf32>
    %broadcast_in_dim3A_83 = arith.constant 0.000000e+00 : f32
    %broadcast_in_dim3A_84 = vector.broadcast %broadcast_in_dim3A_83 : f32 to vector<16xf32>
    %dma_wait3A = arith.constant 0 : i32
    %dma_wait3A_85 = arith.constant 0 : i32
    %dma_wait3A_86 = arith.constant 0 : i32
    %dma_wait3A_87 = tpu.memref_slice %arg7[%dma_wait3A, %dma_wait3A_85, %dma_wait3A_86] : memref<2x128x128xf32, #tpu.memory_space<vmem>> -> memref<1x128x128xf32, #tpu.memory_space<vmem>>
    %dma_wait3A_88 = tpu.memref_squeeze %dma_wait3A_87 : memref<1x128x128xf32, #tpu.memory_space<vmem>> -> memref<128x128xf32, #tpu.memory_space<vmem>>
    %dma_wait3A_89 = arith.constant 0 : i32
    %dma_wait3A_90 = tpu.memref_slice %arg6[%dma_wait3A_89] : memref<512xi32, #tpu.memory_space<vmem>> -> memref<128xi32, #tpu.memory_space<vmem>>
    %dma_wait3A_91 = arith.constant 0 : i32
    %dma_wait3A_92 = arith.constant 0 : i32
    %dma_wait3A_93 = tpu.memref_slice %arg4[%dma_wait3A_91, %dma_wait3A_92] : memref<100000x128xf32, #tpu.memory_space<hbm>> -> memref<100000x128xf32, #tpu.memory_space<hbm>>
    tpu.wait_indirect_dma semaphore(%arg10 : memref<!tpu.dma_semaphore, #tpu.memory_space<semaphore_mem>>) src(%dma_wait3A_93 : memref<100000x128xf32, #tpu.memory_space<hbm>>) dst(%dma_wait3A_88 : memref<128x128xf32, #tpu.memory_space<vmem>>)
    %dma_wait3A_94 = arith.constant 0 : i32
    %dma_wait3A_95 = arith.constant 0 : i32
    %dma_wait3A_96 = tpu.memref_slice %arg8[%dma_wait3A_94, %dma_wait3A_95] : memref<512x128xf32, #tpu.memory_space<vmem>> -> memref<128x128xf32, #tpu.memory_space<vmem>>
    %dma_wait3A_97 = arith.constant 0 : i32
    %dma_wait3A_98 = tpu.memref_slice %arg2[%add3A_4, %dma_wait3A_97] : memref<16384x128xf32, #tpu.memory_space<hbm>> -> memref<128x128xf32, #tpu.memory_space<hbm>>
    %dma_wait3A_99 = arith.constant 0 : i32
    %dma_wait3A_100 = arith.constant 0 : i32
    %dma_wait3A_101 = tpu.memref_slice %arg8[%dma_wait3A_99, %dma_wait3A_100] : memref<512x128xf32, #tpu.memory_space<vmem>> -> memref<128x128xf32, #tpu.memory_space<vmem>>
    %dma_wait3A_102 = arith.constant 0 : i32
    %dma_wait3A_103 = tpu.memref_slice %arg2[%add3A_4, %dma_wait3A_102] : memref<16384x128xf32, #tpu.memory_space<hbm>> -> memref<128x128xf32, #tpu.memory_space<hbm>>
    tpu.wait_dma2 semaphore(%arg12 : memref<!tpu.dma_semaphore, #tpu.memory_space<semaphore_mem>>) src(%dma_wait3A_103 : memref<128x128xf32, #tpu.memory_space<hbm>>) dst(%dma_wait3A_101 : memref<128x128xf32, #tpu.memory_space<vmem>>)
    %dma_start3A_104 = arith.constant 0 : i32
    %dma_start3A_105 = arith.constant 0 : i32
    %dma_start3A_106 = arith.constant 0 : i32
    %dma_start3A_107 = tpu.memref_slice %arg7[%dma_start3A_104, %dma_start3A_105, %dma_start3A_106] : memref<2x128x128xf32, #tpu.memory_space<vmem>> -> memref<1x128x128xf32, #tpu.memory_space<vmem>>
    %dma_start3A_108 = tpu.memref_squeeze %dma_start3A_107 : memref<1x128x128xf32, #tpu.memory_space<vmem>> -> memref<128x128xf32, #tpu.memory_space<vmem>>
    %dma_start3A_109 = arith.constant 256 : i32
    %dma_start3A_110 = tpu.memref_slice %arg6[%dma_start3A_109] : memref<512xi32, #tpu.memory_space<vmem>> -> memref<128xi32, #tpu.memory_space<vmem>>
    %dma_start3A_111 = arith.constant 0 : i32
    %dma_start3A_112 = arith.constant 0 : i32
    %dma_start3A_113 = tpu.memref_slice %arg4[%dma_start3A_111, %dma_start3A_112] : memref<100000x128xf32, #tpu.memory_space<hbm>> -> memref<100000x128xf32, #tpu.memory_space<hbm>>
    tpu.enqueue_indirect_dma source(%dma_start3A_113 : memref<100000x128xf32, #tpu.memory_space<hbm>>) target(%dma_start3A_108 : memref<128x128xf32, #tpu.memory_space<vmem>>) offsets(%dma_start3A_110 : memref<128xi32, #tpu.memory_space<vmem>>) semaphore(%arg10 : memref<!tpu.dma_semaphore, #tpu.memory_space<semaphore_mem>>)
    %parallel_loop3A = arith.constant 0 : i32
    %parallel_loop3A_114 = arith.constant 128 : i32
    %parallel_loop3A_115 = arith.constant 1 : i32
    %parallel_loop3A_116:8 = scf.for %parallel_loop3A_211 = %parallel_loop3A to %parallel_loop3A_114 step %parallel_loop3A_115 iter_args(%parallel_loop3A_212 = %broadcast_in_dim3A_70, %parallel_loop3A_213 = %broadcast_in_dim3A_72, %parallel_loop3A_214 = %broadcast_in_dim3A_74, %parallel_loop3A_215 = %broadcast_in_dim3A_76, %parallel_loop3A_216 = %broadcast_in_dim3A_78, %parallel_loop3A_217 = %broadcast_in_dim3A_80, %parallel_loop3A_218 = %broadcast_in_dim3A_82, %parallel_loop3A_219 = %broadcast_in_dim3A_84) -> (vector<16xf32>, vector<16xf32>, vector<16xf32>, vector<16xf32>, vector<16xf32>, vector<16xf32>, vector<16xf32>, vector<16xf32>)  : i32 {
      %parallel_loop3A_220 = arith.constant 0 : i32
      %parallel_loop3A_221 = arith.addi %parallel_loop3A_220, %parallel_loop3A_211 : i32
      %parallel_loop3A_222 = arith.index_cast %parallel_loop3A_221 : i32 to index
      %parallel_loop3A_223 = arith.constant 0 : index
      %parallel_loop3A_224 = tpu.vector_load %arg8[%parallel_loop3A_222, %parallel_loop3A_223] {strides = array<i32>} : memref<512x128xf32, #tpu.memory_space<vmem>>, vector<1x16xf32>,
      %parallel_loop3A_225 = vector.shape_cast %parallel_loop3A_224 : vector<1x16xf32> to vector<16xf32>
      %parallel_loop3A_226 = arith.constant 0 : i32
      %parallel_loop3A_227 = arith.index_cast %parallel_loop3A_226 : i32 to index
      %parallel_loop3A_228 = arith.index_cast %parallel_loop3A_211 : i32 to index
      %parallel_loop3A_229 = arith.constant 0 : index
      %parallel_loop3A_230 = tpu.vector_load %arg7[%parallel_loop3A_227, %parallel_loop3A_228, %parallel_loop3A_229] {strides = array<i32>} : memref<2x128x128xf32, #tpu.memory_space<vmem>>, vector<1x1x16xf32>,
      %parallel_loop3A_231 = vector.shape_cast %parallel_loop3A_230 : vector<1x1x16xf32> to vector<16xf32>
      %parallel_loop3A_232 = arith.subf %parallel_loop3A_225, %parallel_loop3A_231 : vector<16xf32>
      %parallel_loop3A_233 = arith.mulf %parallel_loop3A_232, %parallel_loop3A_232 : vector<16xf32>
      %parallel_loop3A_234 = arith.addf %parallel_loop3A_212, %parallel_loop3A_233 : vector<16xf32>
      %parallel_loop3A_235 = arith.constant 0 : i32
      %parallel_loop3A_236 = arith.addi %parallel_loop3A_235, %parallel_loop3A_211 : i32
      %parallel_loop3A_237 = arith.index_cast %parallel_loop3A_236 : i32 to index
      %parallel_loop3A_238 = arith.constant 16 : index
      %parallel_loop3A_239 = tpu.vector_load %arg8[%parallel_loop3A_237, %parallel_loop3A_238] {strides = array<i32>} : memref<512x128xf32, #tpu.memory_space<vmem>>, vector<1x16xf32>,
      %parallel_loop3A_240 = vector.shape_cast %parallel_loop3A_239 : vector<1x16xf32> to vector<16xf32>
      %parallel_loop3A_241 = arith.constant 0 : i32
      %parallel_loop3A_242 = arith.index_cast %parallel_loop3A_241 : i32 to index
      %parallel_loop3A_243 = arith.index_cast %parallel_loop3A_211 : i32 to index
      %parallel_loop3A_244 = arith.constant 16 : index
      %parallel_loop3A_245 = tpu.vector_load %arg7[%parallel_loop3A_242, %parallel_loop3A_243, %parallel_loop3A_244] {strides = array<i32>} : memref<2x128x128xf32, #tpu.memory_space<vmem>>, vector<1x1x16xf32>,
      %parallel_loop3A_246 = vector.shape_cast %parallel_loop3A_245 : vector<1x1x16xf32> to vector<16xf32>
      %parallel_loop3A_247 = arith.subf %parallel_loop3A_240, %parallel_loop3A_246 : vector<16xf32>
      %parallel_loop3A_248 = arith.mulf %parallel_loop3A_247, %parallel_loop3A_247 : vector<16xf32>
      %parallel_loop3A_249 = arith.addf %parallel_loop3A_213, %parallel_loop3A_248 : vector<16xf32>
      %parallel_loop3A_250 = arith.constant 0 : i32
      %parallel_loop3A_251 = arith.addi %parallel_loop3A_250, %parallel_loop3A_211 : i32
      %parallel_loop3A_252 = arith.index_cast %parallel_loop3A_251 : i32 to index
      %parallel_loop3A_253 = arith.constant 32 : index
      %parallel_loop3A_254 = tpu.vector_load %arg8[%parallel_loop3A_252, %parallel_loop3A_253] {strides = array<i32>} : memref<512x128xf32, #tpu.memory_space<vmem>>, vector<1x16xf32>,
      %parallel_loop3A_255 = vector.shape_cast %parallel_loop3A_254 : vector<1x16xf32> to vector<16xf32>
      %parallel_loop3A_256 = arith.constant 0 : i32
      %parallel_loop3A_257 = arith.index_cast %parallel_loop3A_256 : i32 to index
      %parallel_loop3A_258 = arith.index_cast %parallel_loop3A_211 : i32 to index
      %parallel_loop3A_259 = arith.constant 32 : index
      %parallel_loop3A_260 = tpu.vector_load %arg7[%parallel_loop3A_257, %parallel_loop3A_258, %parallel_loop3A_259] {strides = array<i32>} : memref<2x128x128xf32, #tpu.memory_space<vmem>>, vector<1x1x16xf32>,
      %parallel_loop3A_261 = vector.shape_cast %parallel_loop3A_260 : vector<1x1x16xf32> to vector<16xf32>
      %parallel_loop3A_262 = arith.subf %parallel_loop3A_255, %parallel_loop3A_261 : vector<16xf32>
      %parallel_loop3A_263 = arith.mulf %parallel_loop3A_262, %parallel_loop3A_262 : vector<16xf32>
      %parallel_loop3A_264 = arith.addf %parallel_loop3A_214, %parallel_loop3A_263 : vector<16xf32>
      %parallel_loop3A_265 = arith.constant 0 : i32
      %parallel_loop3A_266 = arith.addi %parallel_loop3A_265, %parallel_loop3A_211 : i32
      %parallel_loop3A_267 = arith.index_cast %parallel_loop3A_266 : i32 to index
      %parallel_loop3A_268 = arith.constant 48 : index
      %parallel_loop3A_269 = tpu.vector_load %arg8[%parallel_loop3A_267, %parallel_loop3A_268] {strides = array<i32>} : memref<512x128xf32, #tpu.memory_space<vmem>>, vector<1x16xf32>,
      %parallel_loop3A_270 = vector.shape_cast %parallel_loop3A_269 : vector<1x16xf32> to vector<16xf32>
      %parallel_loop3A_271 = arith.constant 0 : i32
      %parallel_loop3A_272 = arith.index_cast %parallel_loop3A_271 : i32 to index
      %parallel_loop3A_273 = arith.index_cast %parallel_loop3A_211 : i32 to index
      %parallel_loop3A_274 = arith.constant 48 : index
      %parallel_loop3A_275 = tpu.vector_load %arg7[%parallel_loop3A_272, %parallel_loop3A_273, %parallel_loop3A_274] {strides = array<i32>} : memref<2x128x128xf32, #tpu.memory_space<vmem>>, vector<1x1x16xf32>,
      %parallel_loop3A_276 = vector.shape_cast %parallel_loop3A_275 : vector<1x1x16xf32> to vector<16xf32>
      %parallel_loop3A_277 = arith.subf %parallel_loop3A_270, %parallel_loop3A_276 : vector<16xf32>
      %parallel_loop3A_278 = arith.mulf %parallel_loop3A_277, %parallel_loop3A_277 : vector<16xf32>
      %parallel_loop3A_279 = arith.addf %parallel_loop3A_215, %parallel_loop3A_278 : vector<16xf32>
      %parallel_loop3A_280 = arith.constant 0 : i32
      %parallel_loop3A_281 = arith.addi %parallel_loop3A_280, %parallel_loop3A_211 : i32
      %parallel_loop3A_282 = arith.index_cast %parallel_loop3A_281 : i32 to index
      %parallel_loop3A_283 = arith.constant 64 : index
      %parallel_loop3A_284 = tpu.vector_load %arg8[%parallel_loop3A_282, %parallel_loop3A_283] {strides = array<i32>} : memref<512x128xf32, #tpu.memory_space<vmem>>, vector<1x16xf32>,
      %parallel_loop3A_285 = vector.shape_cast %parallel_loop3A_284 : vector<1x16xf32> to vector<16xf32>
      %parallel_loop3A_286 = arith.constant 0 : i32
      %parallel_loop3A_287 = arith.index_cast %parallel_loop3A_286 : i32 to index
      %parallel_loop3A_288 = arith.index_cast %parallel_loop3A_211 : i32 to index
      %parallel_loop3A_289 = arith.constant 64 : index
      %parallel_loop3A_290 = tpu.vector_load %arg7[%parallel_loop3A_287, %parallel_loop3A_288, %parallel_loop3A_289] {strides = array<i32>} : memref<2x128x128xf32, #tpu.memory_space<vmem>>, vector<1x1x16xf32>,
      %parallel_loop3A_291 = vector.shape_cast %parallel_loop3A_290 : vector<1x1x16xf32> to vector<16xf32>
      %parallel_loop3A_292 = arith.subf %parallel_loop3A_285, %parallel_loop3A_291 : vector<16xf32>
      %parallel_loop3A_293 = arith.mulf %parallel_loop3A_292, %parallel_loop3A_292 : vector<16xf32>
      %parallel_loop3A_294 = arith.addf %parallel_loop3A_216, %parallel_loop3A_293 : vector<16xf32>
      %parallel_loop3A_295 = arith.constant 0 : i32
      %parallel_loop3A_296 = arith.addi %parallel_loop3A_295, %parallel_loop3A_211 : i32
      %parallel_loop3A_297 = arith.index_cast %parallel_loop3A_296 : i32 to index
      %parallel_loop3A_298 = arith.constant 80 : index
      %parallel_loop3A_299 = tpu.vector_load %arg8[%parallel_loop3A_297, %parallel_loop3A_298] {strides = array<i32>} : memref<512x128xf32, #tpu.memory_space<vmem>>, vector<1x16xf32>,
      %parallel_loop3A_300 = vector.shape_cast %parallel_loop3A_299 : vector<1x16xf32> to vector<16xf32>
      %parallel_loop3A_301 = arith.constant 0 : i32
      %parallel_loop3A_302 = arith.index_cast %parallel_loop3A_301 : i32 to index
      %parallel_loop3A_303 = arith.index_cast %parallel_loop3A_211 : i32 to index
      %parallel_loop3A_304 = arith.constant 80 : index
      %parallel_loop3A_305 = tpu.vector_load %arg7[%parallel_loop3A_302, %parallel_loop3A_303, %parallel_loop3A_304] {strides = array<i32>} : memref<2x128x128xf32, #tpu.memory_space<vmem>>, vector<1x1x16xf32>,
      %parallel_loop3A_306 = vector.shape_cast %parallel_loop3A_305 : vector<1x1x16xf32> to vector<16xf32>
      %parallel_loop3A_307 = arith.subf %parallel_loop3A_300, %parallel_loop3A_306 : vector<16xf32>
      %parallel_loop3A_308 = arith.mulf %parallel_loop3A_307, %parallel_loop3A_307 : vector<16xf32>
      %parallel_loop3A_309 = arith.addf %parallel_loop3A_217, %parallel_loop3A_308 : vector<16xf32>
      %parallel_loop3A_310 = arith.constant 0 : i32
      %parallel_loop3A_311 = arith.addi %parallel_loop3A_310, %parallel_loop3A_211 : i32
      %parallel_loop3A_312 = arith.index_cast %parallel_loop3A_311 : i32 to index
      %parallel_loop3A_313 = arith.constant 96 : index
      %parallel_loop3A_314 = tpu.vector_load %arg8[%parallel_loop3A_312, %parallel_loop3A_313] {strides = array<i32>} : memref<512x128xf32, #tpu.memory_space<vmem>>, vector<1x16xf32>,
      %parallel_loop3A_315 = vector.shape_cast %parallel_loop3A_314 : vector<1x16xf32> to vector<16xf32>
      %parallel_loop3A_316 = arith.constant 0 : i32
      %parallel_loop3A_317 = arith.index_cast %parallel_loop3A_316 : i32 to index
      %parallel_loop3A_318 = arith.index_cast %parallel_loop3A_211 : i32 to index
      %parallel_loop3A_319 = arith.constant 96 : index
      %parallel_loop3A_320 = tpu.vector_load %arg7[%parallel_loop3A_317, %parallel_loop3A_318, %parallel_loop3A_319] {strides = array<i32>} : memref<2x128x128xf32, #tpu.memory_space<vmem>>, vector<1x1x16xf32>,
      %parallel_loop3A_321 = vector.shape_cast %parallel_loop3A_320 : vector<1x1x16xf32> to vector<16xf32>
      %parallel_loop3A_322 = arith.subf %parallel_loop3A_315, %parallel_loop3A_321 : vector<16xf32>
      %parallel_loop3A_323 = arith.mulf %parallel_loop3A_322, %parallel_loop3A_322 : vector<16xf32>
      %parallel_loop3A_324 = arith.addf %parallel_loop3A_218, %parallel_loop3A_323 : vector<16xf32>
      %parallel_loop3A_325 = arith.constant 0 : i32
      %parallel_loop3A_326 = arith.addi %parallel_loop3A_325, %parallel_loop3A_211 : i32
      %parallel_loop3A_327 = arith.index_cast %parallel_loop3A_326 : i32 to index
      %parallel_loop3A_328 = arith.constant 112 : index
      %parallel_loop3A_329 = tpu.vector_load %arg8[%parallel_loop3A_327, %parallel_loop3A_328] {strides = array<i32>} : memref<512x128xf32, #tpu.memory_space<vmem>>, vector<1x16xf32>,
      %parallel_loop3A_330 = vector.shape_cast %parallel_loop3A_329 : vector<1x16xf32> to vector<16xf32>
      %parallel_loop3A_331 = arith.constant 0 : i32
      %parallel_loop3A_332 = arith.index_cast %parallel_loop3A_331 : i32 to index
      %parallel_loop3A_333 = arith.index_cast %parallel_loop3A_211 : i32 to index
      %parallel_loop3A_334 = arith.constant 112 : index
      %parallel_loop3A_335 = tpu.vector_load %arg7[%parallel_loop3A_332, %parallel_loop3A_333, %parallel_loop3A_334] {strides = array<i32>} : memref<2x128x128xf32, #tpu.memory_space<vmem>>, vector<1x1x16xf32>,
      %parallel_loop3A_336 = vector.shape_cast %parallel_loop3A_335 : vector<1x1x16xf32> to vector<16xf32>
      %parallel_loop3A_337 = arith.subf %parallel_loop3A_330, %parallel_loop3A_336 : vector<16xf32>
      %parallel_loop3A_338 = arith.mulf %parallel_loop3A_337, %parallel_loop3A_337 : vector<16xf32>
      %parallel_loop3A_339 = arith.addf %parallel_loop3A_219, %parallel_loop3A_338 : vector<16xf32>
      scf.yield %parallel_loop3A_234, %parallel_loop3A_249, %parallel_loop3A_264, %parallel_loop3A_279, %parallel_loop3A_294, %parallel_loop3A_309, %parallel_loop3A_324, %parallel_loop3A_339 : vector<16xf32>, vector<16xf32>, vector<16xf32>, vector<16xf32>, vector<16xf32>, vector<16xf32>, vector<16xf32>, vector<16xf32>
    } {sc.loop_unroll_factor = 2 : i64, sc.parallel_access}
    %dma_wait3A_117 = arith.constant 1 : i32
    %dma_wait3A_118 = arith.constant 0 : i32
    %dma_wait3A_119 = arith.constant 0 : i32
    %dma_wait3A_120 = tpu.memref_slice %arg7[%dma_wait3A_117, %dma_wait3A_118, %dma_wait3A_119] : memref<2x128x128xf32, #tpu.memory_space<vmem>> -> memref<1x128x128xf32, #tpu.memory_space<vmem>>
    %dma_wait3A_121 = tpu.memref_squeeze %dma_wait3A_120 : memref<1x128x128xf32, #tpu.memory_space<vmem>> -> memref<128x128xf32, #tpu.memory_space<vmem>>
    %dma_wait3A_122 = arith.constant 128 : i32
    %dma_wait3A_123 = tpu.memref_slice %arg6[%dma_wait3A_122] : memref<512xi32, #tpu.memory_space<vmem>> -> memref<128xi32, #tpu.memory_space<vmem>>
    %dma_wait3A_124 = arith.constant 0 : i32
    %dma_wait3A_125 = arith.constant 0 : i32
    %dma_wait3A_126 = tpu.memref_slice %arg4[%dma_wait3A_124, %dma_wait3A_125] : memref<100000x128xf32, #tpu.memory_space<hbm>> -> memref<100000x128xf32, #tpu.memory_space<hbm>>
    tpu.wait_indirect_dma semaphore(%arg11 : memref<!tpu.dma_semaphore, #tpu.memory_space<semaphore_mem>>) src(%dma_wait3A_126 : memref<100000x128xf32, #tpu.memory_space<hbm>>) dst(%dma_wait3A_121 : memref<128x128xf32, #tpu.memory_space<vmem>>)
    %dma_wait3A_127 = arith.constant 128 : i32
    %dma_wait3A_128 = arith.constant 0 : i32
    %dma_wait3A_129 = tpu.memref_slice %arg8[%dma_wait3A_127, %dma_wait3A_128] : memref<512x128xf32, #tpu.memory_space<vmem>> -> memref<128x128xf32, #tpu.memory_space<vmem>>
    %dma_wait3A_130 = arith.constant 0 : i32
    %dma_wait3A_131 = tpu.memref_slice %arg2[%add3A_15, %dma_wait3A_130] : memref<16384x128xf32, #tpu.memory_space<hbm>> -> memref<128x128xf32, #tpu.memory_space<hbm>>
    %dma_wait3A_132 = arith.constant 128 : i32
    %dma_wait3A_133 = arith.constant 0 : i32
    %dma_wait3A_134 = tpu.memref_slice %arg8[%dma_wait3A_132, %dma_wait3A_133] : memref<512x128xf32, #tpu.memory_space<vmem>> -> memref<128x128xf32, #tpu.memory_space<vmem>>
    %dma_wait3A_135 = arith.constant 0 : i32
    %dma_wait3A_136 = tpu.memref_slice %arg2[%add3A_15, %dma_wait3A_135] : memref<16384x128xf32, #tpu.memory_space<hbm>> -> memref<128x128xf32, #tpu.memory_space<hbm>>
    tpu.wait_dma2 semaphore(%arg13 : memref<!tpu.dma_semaphore, #tpu.memory_space<semaphore_mem>>) src(%dma_wait3A_136 : memref<128x128xf32, #tpu.memory_space<hbm>>) dst(%dma_wait3A_134 : memref<128x128xf32, #tpu.memory_space<vmem>>)
    %dma_start3A_137 = arith.constant 1 : i32
    %dma_start3A_138 = arith.constant 0 : i32
    %dma_start3A_139 = arith.constant 0 : i32
    %dma_start3A_140 = tpu.memref_slice %arg7[%dma_start3A_137, %dma_start3A_138, %dma_start3A_139] : memref<2x128x128xf32, #tpu.memory_space<vmem>> -> memref<1x128x128xf32, #tpu.memory_space<vmem>>
    %dma_start3A_141 = tpu.memref_squeeze %dma_start3A_140 : memref<1x128x128xf32, #tpu.memory_space<vmem>> -> memref<128x128xf32, #tpu.memory_space<vmem>>
    %dma_start3A_142 = arith.constant 384 : i32
    %dma_start3A_143 = tpu.memref_slice %arg6[%dma_start3A_142] : memref<512xi32, #tpu.memory_space<vmem>> -> memref<128xi32, #tpu.memory_space<vmem>>
    %dma_start3A_144 = arith.constant 0 : i32
    %dma_start3A_145 = arith.constant 0 : i32
    %dma_start3A_146 = tpu.memref_slice %arg4[%dma_start3A_144, %dma_start3A_145] : memref<100000x128xf32, #tpu.memory_space<hbm>> -> memref<100000x128xf32, #tpu.memory_space<hbm>>
    tpu.enqueue_indirect_dma source(%dma_start3A_146 : memref<100000x128xf32, #tpu.memory_space<hbm>>) target(%dma_start3A_141 : memref<128x128xf32, #tpu.memory_space<vmem>>) offsets(%dma_start3A_143 : memref<128xi32, #tpu.memory_space<vmem>>) semaphore(%arg11 : memref<!tpu.dma_semaphore, #tpu.memory_space<semaphore_mem>>)
    %parallel_loop3A_147 = arith.constant 0 : i32
    %parallel_loop3A_148 = arith.constant 128 : i32
    %parallel_loop3A_149 = arith.constant 1 : i32
    %parallel_loop3A_150:8 = scf.for %parallel_loop3A_211 = %parallel_loop3A_147 to %parallel_loop3A_148 step %parallel_loop3A_149 iter_args(%parallel_loop3A_212 = %parallel_loop3A_116#0, %parallel_loop3A_213 = %parallel_loop3A_116#1, %parallel_loop3A_214 = %parallel_loop3A_116#2, %parallel_loop3A_215 = %parallel_loop3A_116#3, %parallel_loop3A_216 = %parallel_loop3A_116#4, %parallel_loop3A_217 = %parallel_loop3A_116#5, %parallel_loop3A_218 = %parallel_loop3A_116#6, %parallel_loop3A_219 = %parallel_loop3A_116#7) -> (vector<16xf32>, vector<16xf32>, vector<16xf32>, vector<16xf32>, vector<16xf32>, vector<16xf32>, vector<16xf32>, vector<16xf32>)  : i32 {
      %parallel_loop3A_220 = arith.constant 128 : i32
      %parallel_loop3A_221 = arith.addi %parallel_loop3A_220, %parallel_loop3A_211 : i32
      %parallel_loop3A_222 = arith.index_cast %parallel_loop3A_221 : i32 to index
      %parallel_loop3A_223 = arith.constant 0 : index
      %parallel_loop3A_224 = tpu.vector_load %arg8[%parallel_loop3A_222, %parallel_loop3A_223] {strides = array<i32>} : memref<512x128xf32, #tpu.memory_space<vmem>>, vector<1x16xf32>,
      %parallel_loop3A_225 = vector.shape_cast %parallel_loop3A_224 : vector<1x16xf32> to vector<16xf32>
      %parallel_loop3A_226 = arith.constant 1 : i32
      %parallel_loop3A_227 = arith.index_cast %parallel_loop3A_226 : i32 to index
      %parallel_loop3A_228 = arith.index_cast %parallel_loop3A_211 : i32 to index
      %parallel_loop3A_229 = arith.constant 0 : index
      %parallel_loop3A_230 = tpu.vector_load %arg7[%parallel_loop3A_227, %parallel_loop3A_228, %parallel_loop3A_229] {strides = array<i32>} : memref<2x128x128xf32, #tpu.memory_space<vmem>>, vector<1x1x16xf32>,
      %parallel_loop3A_231 = vector.shape_cast %parallel_loop3A_230 : vector<1x1x16xf32> to vector<16xf32>
      %parallel_loop3A_232 = arith.subf %parallel_loop3A_225, %parallel_loop3A_231 : vector<16xf32>
      %parallel_loop3A_233 = arith.mulf %parallel_loop3A_232, %parallel_loop3A_232 : vector<16xf32>
      %parallel_loop3A_234 = arith.addf %parallel_loop3A_212, %parallel_loop3A_233 : vector<16xf32>
      %parallel_loop3A_235 = arith.constant 128 : i32
      %parallel_loop3A_236 = arith.addi %parallel_loop3A_235, %parallel_loop3A_211 : i32
      %parallel_loop3A_237 = arith.index_cast %parallel_loop3A_236 : i32 to index
      %parallel_loop3A_238 = arith.constant 16 : index
      %parallel_loop3A_239 = tpu.vector_load %arg8[%parallel_loop3A_237, %parallel_loop3A_238] {strides = array<i32>} : memref<512x128xf32, #tpu.memory_space<vmem>>, vector<1x16xf32>,
      %parallel_loop3A_240 = vector.shape_cast %parallel_loop3A_239 : vector<1x16xf32> to vector<16xf32>
      %parallel_loop3A_241 = arith.constant 1 : i32
      %parallel_loop3A_242 = arith.index_cast %parallel_loop3A_241 : i32 to index
      %parallel_loop3A_243 = arith.index_cast %parallel_loop3A_211 : i32 to index
      %parallel_loop3A_244 = arith.constant 16 : index
      %parallel_loop3A_245 = tpu.vector_load %arg7[%parallel_loop3A_242, %parallel_loop3A_243, %parallel_loop3A_244] {strides = array<i32>} : memref<2x128x128xf32, #tpu.memory_space<vmem>>, vector<1x1x16xf32>,
      %parallel_loop3A_246 = vector.shape_cast %parallel_loop3A_245 : vector<1x1x16xf32> to vector<16xf32>
      %parallel_loop3A_247 = arith.subf %parallel_loop3A_240, %parallel_loop3A_246 : vector<16xf32>
      %parallel_loop3A_248 = arith.mulf %parallel_loop3A_247, %parallel_loop3A_247 : vector<16xf32>
      %parallel_loop3A_249 = arith.addf %parallel_loop3A_213, %parallel_loop3A_248 : vector<16xf32>
      %parallel_loop3A_250 = arith.constant 128 : i32
      %parallel_loop3A_251 = arith.addi %parallel_loop3A_250, %parallel_loop3A_211 : i32
      %parallel_loop3A_252 = arith.index_cast %parallel_loop3A_251 : i32 to index
      %parallel_loop3A_253 = arith.constant 32 : index
      %parallel_loop3A_254 = tpu.vector_load %arg8[%parallel_loop3A_252, %parallel_loop3A_253] {strides = array<i32>} : memref<512x128xf32, #tpu.memory_space<vmem>>, vector<1x16xf32>,
      %parallel_loop3A_255 = vector.shape_cast %parallel_loop3A_254 : vector<1x16xf32> to vector<16xf32>
      %parallel_loop3A_256 = arith.constant 1 : i32
      %parallel_loop3A_257 = arith.index_cast %parallel_loop3A_256 : i32 to index
      %parallel_loop3A_258 = arith.index_cast %parallel_loop3A_211 : i32 to index
      %parallel_loop3A_259 = arith.constant 32 : index
      %parallel_loop3A_260 = tpu.vector_load %arg7[%parallel_loop3A_257, %parallel_loop3A_258, %parallel_loop3A_259] {strides = array<i32>} : memref<2x128x128xf32, #tpu.memory_space<vmem>>, vector<1x1x16xf32>,
      %parallel_loop3A_261 = vector.shape_cast %parallel_loop3A_260 : vector<1x1x16xf32> to vector<16xf32>
      %parallel_loop3A_262 = arith.subf %parallel_loop3A_255, %parallel_loop3A_261 : vector<16xf32>
      %parallel_loop3A_263 = arith.mulf %parallel_loop3A_262, %parallel_loop3A_262 : vector<16xf32>
      %parallel_loop3A_264 = arith.addf %parallel_loop3A_214, %parallel_loop3A_263 : vector<16xf32>
      %parallel_loop3A_265 = arith.constant 128 : i32
      %parallel_loop3A_266 = arith.addi %parallel_loop3A_265, %parallel_loop3A_211 : i32
      %parallel_loop3A_267 = arith.index_cast %parallel_loop3A_266 : i32 to index
      %parallel_loop3A_268 = arith.constant 48 : index
      %parallel_loop3A_269 = tpu.vector_load %arg8[%parallel_loop3A_267, %parallel_loop3A_268] {strides = array<i32>} : memref<512x128xf32, #tpu.memory_space<vmem>>, vector<1x16xf32>,
      %parallel_loop3A_270 = vector.shape_cast %parallel_loop3A_269 : vector<1x16xf32> to vector<16xf32>
      %parallel_loop3A_271 = arith.constant 1 : i32
      %parallel_loop3A_272 = arith.index_cast %parallel_loop3A_271 : i32 to index
      %parallel_loop3A_273 = arith.index_cast %parallel_loop3A_211 : i32 to index
      %parallel_loop3A_274 = arith.constant 48 : index
      %parallel_loop3A_275 = tpu.vector_load %arg7[%parallel_loop3A_272, %parallel_loop3A_273, %parallel_loop3A_274] {strides = array<i32>} : memref<2x128x128xf32, #tpu.memory_space<vmem>>, vector<1x1x16xf32>,
      %parallel_loop3A_276 = vector.shape_cast %parallel_loop3A_275 : vector<1x1x16xf32> to vector<16xf32>
      %parallel_loop3A_277 = arith.subf %parallel_loop3A_270, %parallel_loop3A_276 : vector<16xf32>
      %parallel_loop3A_278 = arith.mulf %parallel_loop3A_277, %parallel_loop3A_277 : vector<16xf32>
      %parallel_loop3A_279 = arith.addf %parallel_loop3A_215, %parallel_loop3A_278 : vector<16xf32>
      %parallel_loop3A_280 = arith.constant 128 : i32
      %parallel_loop3A_281 = arith.addi %parallel_loop3A_280, %parallel_loop3A_211 : i32
      %parallel_loop3A_282 = arith.index_cast %parallel_loop3A_281 : i32 to index
      %parallel_loop3A_283 = arith.constant 64 : index
      %parallel_loop3A_284 = tpu.vector_load %arg8[%parallel_loop3A_282, %parallel_loop3A_283] {strides = array<i32>} : memref<512x128xf32, #tpu.memory_space<vmem>>, vector<1x16xf32>,
      %parallel_loop3A_285 = vector.shape_cast %parallel_loop3A_284 : vector<1x16xf32> to vector<16xf32>
      %parallel_loop3A_286 = arith.constant 1 : i32
      %parallel_loop3A_287 = arith.index_cast %parallel_loop3A_286 : i32 to index
      %parallel_loop3A_288 = arith.index_cast %parallel_loop3A_211 : i32 to index
      %parallel_loop3A_289 = arith.constant 64 : index
      %parallel_loop3A_290 = tpu.vector_load %arg7[%parallel_loop3A_287, %parallel_loop3A_288, %parallel_loop3A_289] {strides = array<i32>} : memref<2x128x128xf32, #tpu.memory_space<vmem>>, vector<1x1x16xf32>,
      %parallel_loop3A_291 = vector.shape_cast %parallel_loop3A_290 : vector<1x1x16xf32> to vector<16xf32>
      %parallel_loop3A_292 = arith.subf %parallel_loop3A_285, %parallel_loop3A_291 : vector<16xf32>
      %parallel_loop3A_293 = arith.mulf %parallel_loop3A_292, %parallel_loop3A_292 : vector<16xf32>
      %parallel_loop3A_294 = arith.addf %parallel_loop3A_216, %parallel_loop3A_293 : vector<16xf32>
      %parallel_loop3A_295 = arith.constant 128 : i32
      %parallel_loop3A_296 = arith.addi %parallel_loop3A_295, %parallel_loop3A_211 : i32
      %parallel_loop3A_297 = arith.index_cast %parallel_loop3A_296 : i32 to index
      %parallel_loop3A_298 = arith.constant 80 : index
      %parallel_loop3A_299 = tpu.vector_load %arg8[%parallel_loop3A_297, %parallel_loop3A_298] {strides = array<i32>} : memref<512x128xf32, #tpu.memory_space<vmem>>, vector<1x16xf32>,
      %parallel_loop3A_300 = vector.shape_cast %parallel_loop3A_299 : vector<1x16xf32> to vector<16xf32>
      %parallel_loop3A_301 = arith.constant 1 : i32
      %parallel_loop3A_302 = arith.index_cast %parallel_loop3A_301 : i32 to index
      %parallel_loop3A_303 = arith.index_cast %parallel_loop3A_211 : i32 to index
      %parallel_loop3A_304 = arith.constant 80 : index
      %parallel_loop3A_305 = tpu.vector_load %arg7[%parallel_loop3A_302, %parallel_loop3A_303, %parallel_loop3A_304] {strides = array<i32>} : memref<2x128x128xf32, #tpu.memory_space<vmem>>, vector<1x1x16xf32>,
      %parallel_loop3A_306 = vector.shape_cast %parallel_loop3A_305 : vector<1x1x16xf32> to vector<16xf32>
      %parallel_loop3A_307 = arith.subf %parallel_loop3A_300, %parallel_loop3A_306 : vector<16xf32>
      %parallel_loop3A_308 = arith.mulf %parallel_loop3A_307, %parallel_loop3A_307 : vector<16xf32>
      %parallel_loop3A_309 = arith.addf %parallel_loop3A_217, %parallel_loop3A_308 : vector<16xf32>
      %parallel_loop3A_310 = arith.constant 128 : i32
      %parallel_loop3A_311 = arith.addi %parallel_loop3A_310, %parallel_loop3A_211 : i32
      %parallel_loop3A_312 = arith.index_cast %parallel_loop3A_311 : i32 to index
      %parallel_loop3A_313 = arith.constant 96 : index
      %parallel_loop3A_314 = tpu.vector_load %arg8[%parallel_loop3A_312, %parallel_loop3A_313] {strides = array<i32>} : memref<512x128xf32, #tpu.memory_space<vmem>>, vector<1x16xf32>,
      %parallel_loop3A_315 = vector.shape_cast %parallel_loop3A_314 : vector<1x16xf32> to vector<16xf32>
      %parallel_loop3A_316 = arith.constant 1 : i32
      %parallel_loop3A_317 = arith.index_cast %parallel_loop3A_316 : i32 to index
      %parallel_loop3A_318 = arith.index_cast %parallel_loop3A_211 : i32 to index
      %parallel_loop3A_319 = arith.constant 96 : index
      %parallel_loop3A_320 = tpu.vector_load %arg7[%parallel_loop3A_317, %parallel_loop3A_318, %parallel_loop3A_319] {strides = array<i32>} : memref<2x128x128xf32, #tpu.memory_space<vmem>>, vector<1x1x16xf32>,
      %parallel_loop3A_321 = vector.shape_cast %parallel_loop3A_320 : vector<1x1x16xf32> to vector<16xf32>
      %parallel_loop3A_322 = arith.subf %parallel_loop3A_315, %parallel_loop3A_321 : vector<16xf32>
      %parallel_loop3A_323 = arith.mulf %parallel_loop3A_322, %parallel_loop3A_322 : vector<16xf32>
      %parallel_loop3A_324 = arith.addf %parallel_loop3A_218, %parallel_loop3A_323 : vector<16xf32>
      %parallel_loop3A_325 = arith.constant 128 : i32
      %parallel_loop3A_326 = arith.addi %parallel_loop3A_325, %parallel_loop3A_211 : i32
      %parallel_loop3A_327 = arith.index_cast %parallel_loop3A_326 : i32 to index
      %parallel_loop3A_328 = arith.constant 112 : index
      %parallel_loop3A_329 = tpu.vector_load %arg8[%parallel_loop3A_327, %parallel_loop3A_328] {strides = array<i32>} : memref<512x128xf32, #tpu.memory_space<vmem>>, vector<1x16xf32>,
      %parallel_loop3A_330 = vector.shape_cast %parallel_loop3A_329 : vector<1x16xf32> to vector<16xf32>
      %parallel_loop3A_331 = arith.constant 1 : i32
      %parallel_loop3A_332 = arith.index_cast %parallel_loop3A_331 : i32 to index
      %parallel_loop3A_333 = arith.index_cast %parallel_loop3A_211 : i32 to index
      %parallel_loop3A_334 = arith.constant 112 : index
      %parallel_loop3A_335 = tpu.vector_load %arg7[%parallel_loop3A_332, %parallel_loop3A_333, %parallel_loop3A_334] {strides = array<i32>} : memref<2x128x128xf32, #tpu.memory_space<vmem>>, vector<1x1x16xf32>,
      %parallel_loop3A_336 = vector.shape_cast %parallel_loop3A_335 : vector<1x1x16xf32> to vector<16xf32>
      %parallel_loop3A_337 = arith.subf %parallel_loop3A_330, %parallel_loop3A_336 : vector<16xf32>
      %parallel_loop3A_338 = arith.mulf %parallel_loop3A_337, %parallel_loop3A_337 : vector<16xf32>
      %parallel_loop3A_339 = arith.addf %parallel_loop3A_219, %parallel_loop3A_338 : vector<16xf32>
      scf.yield %parallel_loop3A_234, %parallel_loop3A_249, %parallel_loop3A_264, %parallel_loop3A_279, %parallel_loop3A_294, %parallel_loop3A_309, %parallel_loop3A_324, %parallel_loop3A_339 : vector<16xf32>, vector<16xf32>, vector<16xf32>, vector<16xf32>, vector<16xf32>, vector<16xf32>, vector<16xf32>, vector<16xf32>
    } {sc.loop_unroll_factor = 2 : i64, sc.parallel_access}
    %dma_wait3A_151 = arith.constant 0 : i32
    %dma_wait3A_152 = arith.constant 0 : i32
    %dma_wait3A_153 = arith.constant 0 : i32
    %dma_wait3A_154 = tpu.memref_slice %arg7[%dma_wait3A_151, %dma_wait3A_152, %dma_wait3A_153] : memref<2x128x128xf32, #tpu.memory_space<vmem>> -> memref<1x128x128xf32, #tpu.memory_space<vmem>>
    %dma_wait3A_155 = tpu.memref_squeeze %dma_wait3A_154 : memref<1x128x128xf32, #tpu.memory_space<vmem>> -> memref<128x128xf32, #tpu.memory_space<vmem>>
    %dma_wait3A_156 = arith.constant 256 : i32
    %dma_wait3A_157 = tpu.memref_slice %arg6[%dma_wait3A_156] : memref<512xi32, #tpu.memory_space<vmem>> -> memref<128xi32, #tpu.memory_space<vmem>>
    %dma_wait3A_158 = arith.constant 0 : i32
    %dma_wait3A_159 = arith.constant 0 : i32
    %dma_wait3A_160 = tpu.memref_slice %arg4[%dma_wait3A_158, %dma_wait3A_159] : memref<100000x128xf32, #tpu.memory_space<hbm>> -> memref<100000x128xf32, #tpu.memory_space<hbm>>
    tpu.wait_indirect_dma semaphore(%arg10 : memref<!tpu.dma_semaphore, #tpu.memory_space<semaphore_mem>>) src(%dma_wait3A_160 : memref<100000x128xf32, #tpu.memory_space<hbm>>) dst(%dma_wait3A_155 : memref<128x128xf32, #tpu.memory_space<vmem>>)
    %dma_wait3A_161 = arith.constant 256 : i32
    %dma_wait3A_162 = arith.constant 0 : i32
    %dma_wait3A_163 = tpu.memref_slice %arg8[%dma_wait3A_161, %dma_wait3A_162] : memref<512x128xf32, #tpu.memory_space<vmem>> -> memref<128x128xf32, #tpu.memory_space<vmem>>
    %dma_wait3A_164 = arith.constant 0 : i32
    %dma_wait3A_165 = tpu.memref_slice %arg2[%add3A_27, %dma_wait3A_164] : memref<16384x128xf32, #tpu.memory_space<hbm>> -> memref<128x128xf32, #tpu.memory_space<hbm>>
    %dma_wait3A_166 = arith.constant 256 : i32
    %dma_wait3A_167 = arith.constant 0 : i32
    %dma_wait3A_168 = tpu.memref_slice %arg8[%dma_wait3A_166, %dma_wait3A_167] : memref<512x128xf32, #tpu.memory_space<vmem>> -> memref<128x128xf32, #tpu.memory_space<vmem>>
    %dma_wait3A_169 = arith.constant 0 : i32
    %dma_wait3A_170 = tpu.memref_slice %arg2[%add3A_27, %dma_wait3A_169] : memref<16384x128xf32, #tpu.memory_space<hbm>> -> memref<128x128xf32, #tpu.memory_space<hbm>>
    tpu.wait_dma2 semaphore(%arg14 : memref<!tpu.dma_semaphore, #tpu.memory_space<semaphore_mem>>) src(%dma_wait3A_170 : memref<128x128xf32, #tpu.memory_space<hbm>>) dst(%dma_wait3A_168 : memref<128x128xf32, #tpu.memory_space<vmem>>)
    %parallel_loop3A_171 = arith.constant 0 : i32
    %parallel_loop3A_172 = arith.constant 128 : i32
    %parallel_loop3A_173 = arith.constant 1 : i32
    %parallel_loop3A_174:8 = scf.for %parallel_loop3A_211 = %parallel_loop3A_171 to %parallel_loop3A_172 step %parallel_loop3A_173 iter_args(%parallel_loop3A_212 = %parallel_loop3A_150#0, %parallel_loop3A_213 = %parallel_loop3A_150#1, %parallel_loop3A_214 = %parallel_loop3A_150#2, %parallel_loop3A_215 = %parallel_loop3A_150#3, %parallel_loop3A_216 = %parallel_loop3A_150#4, %parallel_loop3A_217 = %parallel_loop3A_150#5, %parallel_loop3A_218 = %parallel_loop3A_150#6, %parallel_loop3A_219 = %parallel_loop3A_150#7) -> (vector<16xf32>, vector<16xf32>, vector<16xf32>, vector<16xf32>, vector<16xf32>, vector<16xf32>, vector<16xf32>, vector<16xf32>)  : i32 {
      %parallel_loop3A_220 = arith.constant 256 : i32
      %parallel_loop3A_221 = arith.addi %parallel_loop3A_220, %parallel_loop3A_211 : i32
      %parallel_loop3A_222 = arith.index_cast %parallel_loop3A_221 : i32 to index
      %parallel_loop3A_223 = arith.constant 0 : index
      %parallel_loop3A_224 = tpu.vector_load %arg8[%parallel_loop3A_222, %parallel_loop3A_223] {strides = array<i32>} : memref<512x128xf32, #tpu.memory_space<vmem>>, vector<1x16xf32>,
      %parallel_loop3A_225 = vector.shape_cast %parallel_loop3A_224 : vector<1x16xf32> to vector<16xf32>
      %parallel_loop3A_226 = arith.constant 0 : i32
      %parallel_loop3A_227 = arith.index_cast %parallel_loop3A_226 : i32 to index
      %parallel_loop3A_228 = arith.index_cast %parallel_loop3A_211 : i32 to index
      %parallel_loop3A_229 = arith.constant 0 : index
      %parallel_loop3A_230 = tpu.vector_load %arg7[%parallel_loop3A_227, %parallel_loop3A_228, %parallel_loop3A_229] {strides = array<i32>} : memref<2x128x128xf32, #tpu.memory_space<vmem>>, vector<1x1x16xf32>,
      %parallel_loop3A_231 = vector.shape_cast %parallel_loop3A_230 : vector<1x1x16xf32> to vector<16xf32>
      %parallel_loop3A_232 = arith.subf %parallel_loop3A_225, %parallel_loop3A_231 : vector<16xf32>
      %parallel_loop3A_233 = arith.mulf %parallel_loop3A_232, %parallel_loop3A_232 : vector<16xf32>
      %parallel_loop3A_234 = arith.addf %parallel_loop3A_212, %parallel_loop3A_233 : vector<16xf32>
      %parallel_loop3A_235 = arith.constant 256 : i32
      %parallel_loop3A_236 = arith.addi %parallel_loop3A_235, %parallel_loop3A_211 : i32
      %parallel_loop3A_237 = arith.index_cast %parallel_loop3A_236 : i32 to index
      %parallel_loop3A_238 = arith.constant 16 : index
      %parallel_loop3A_239 = tpu.vector_load %arg8[%parallel_loop3A_237, %parallel_loop3A_238] {strides = array<i32>} : memref<512x128xf32, #tpu.memory_space<vmem>>, vector<1x16xf32>,
      %parallel_loop3A_240 = vector.shape_cast %parallel_loop3A_239 : vector<1x16xf32> to vector<16xf32>
      %parallel_loop3A_241 = arith.constant 0 : i32
      %parallel_loop3A_242 = arith.index_cast %parallel_loop3A_241 : i32 to index
      %parallel_loop3A_243 = arith.index_cast %parallel_loop3A_211 : i32 to index
      %parallel_loop3A_244 = arith.constant 16 : index
      %parallel_loop3A_245 = tpu.vector_load %arg7[%parallel_loop3A_242, %parallel_loop3A_243, %parallel_loop3A_244] {strides = array<i32>} : memref<2x128x128xf32, #tpu.memory_space<vmem>>, vector<1x1x16xf32>,
      %parallel_loop3A_246 = vector.shape_cast %parallel_loop3A_245 : vector<1x1x16xf32> to vector<16xf32>
      %parallel_loop3A_247 = arith.subf %parallel_loop3A_240, %parallel_loop3A_246 : vector<16xf32>
      %parallel_loop3A_248 = arith.mulf %parallel_loop3A_247, %parallel_loop3A_247 : vector<16xf32>
      %parallel_loop3A_249 = arith.addf %parallel_loop3A_213, %parallel_loop3A_248 : vector<16xf32>
      %parallel_loop3A_250 = arith.constant 256 : i32
      %parallel_loop3A_251 = arith.addi %parallel_loop3A_250, %parallel_loop3A_211 : i32
      %parallel_loop3A_252 = arith.index_cast %parallel_loop3A_251 : i32 to index
      %parallel_loop3A_253 = arith.constant 32 : index
      %parallel_loop3A_254 = tpu.vector_load %arg8[%parallel_loop3A_252, %parallel_loop3A_253] {strides = array<i32>} : memref<512x128xf32, #tpu.memory_space<vmem>>, vector<1x16xf32>,
      %parallel_loop3A_255 = vector.shape_cast %parallel_loop3A_254 : vector<1x16xf32> to vector<16xf32>
      %parallel_loop3A_256 = arith.constant 0 : i32
      %parallel_loop3A_257 = arith.index_cast %parallel_loop3A_256 : i32 to index
      %parallel_loop3A_258 = arith.index_cast %parallel_loop3A_211 : i32 to index
      %parallel_loop3A_259 = arith.constant 32 : index
      %parallel_loop3A_260 = tpu.vector_load %arg7[%parallel_loop3A_257, %parallel_loop3A_258, %parallel_loop3A_259] {strides = array<i32>} : memref<2x128x128xf32, #tpu.memory_space<vmem>>, vector<1x1x16xf32>,
      %parallel_loop3A_261 = vector.shape_cast %parallel_loop3A_260 : vector<1x1x16xf32> to vector<16xf32>
      %parallel_loop3A_262 = arith.subf %parallel_loop3A_255, %parallel_loop3A_261 : vector<16xf32>
      %parallel_loop3A_263 = arith.mulf %parallel_loop3A_262, %parallel_loop3A_262 : vector<16xf32>
      %parallel_loop3A_264 = arith.addf %parallel_loop3A_214, %parallel_loop3A_263 : vector<16xf32>
      %parallel_loop3A_265 = arith.constant 256 : i32
      %parallel_loop3A_266 = arith.addi %parallel_loop3A_265, %parallel_loop3A_211 : i32
      %parallel_loop3A_267 = arith.index_cast %parallel_loop3A_266 : i32 to index
      %parallel_loop3A_268 = arith.constant 48 : index
      %parallel_loop3A_269 = tpu.vector_load %arg8[%parallel_loop3A_267, %parallel_loop3A_268] {strides = array<i32>} : memref<512x128xf32, #tpu.memory_space<vmem>>, vector<1x16xf32>,
      %parallel_loop3A_270 = vector.shape_cast %parallel_loop3A_269 : vector<1x16xf32> to vector<16xf32>
      %parallel_loop3A_271 = arith.constant 0 : i32
      %parallel_loop3A_272 = arith.index_cast %parallel_loop3A_271 : i32 to index
      %parallel_loop3A_273 = arith.index_cast %parallel_loop3A_211 : i32 to index
      %parallel_loop3A_274 = arith.constant 48 : index
      %parallel_loop3A_275 = tpu.vector_load %arg7[%parallel_loop3A_272, %parallel_loop3A_273, %parallel_loop3A_274] {strides = array<i32>} : memref<2x128x128xf32, #tpu.memory_space<vmem>>, vector<1x1x16xf32>,
      %parallel_loop3A_276 = vector.shape_cast %parallel_loop3A_275 : vector<1x1x16xf32> to vector<16xf32>
      %parallel_loop3A_277 = arith.subf %parallel_loop3A_270, %parallel_loop3A_276 : vector<16xf32>
      %parallel_loop3A_278 = arith.mulf %parallel_loop3A_277, %parallel_loop3A_277 : vector<16xf32>
      %parallel_loop3A_279 = arith.addf %parallel_loop3A_215, %parallel_loop3A_278 : vector<16xf32>
      %parallel_loop3A_280 = arith.constant 256 : i32
      %parallel_loop3A_281 = arith.addi %parallel_loop3A_280, %parallel_loop3A_211 : i32
      %parallel_loop3A_282 = arith.index_cast %parallel_loop3A_281 : i32 to index
      %parallel_loop3A_283 = arith.constant 64 : index
      %parallel_loop3A_284 = tpu.vector_load %arg8[%parallel_loop3A_282, %parallel_loop3A_283] {strides = array<i32>} : memref<512x128xf32, #tpu.memory_space<vmem>>, vector<1x16xf32>,
      %parallel_loop3A_285 = vector.shape_cast %parallel_loop3A_284 : vector<1x16xf32> to vector<16xf32>
      %parallel_loop3A_286 = arith.constant 0 : i32
      %parallel_loop3A_287 = arith.index_cast %parallel_loop3A_286 : i32 to index
      %parallel_loop3A_288 = arith.index_cast %parallel_loop3A_211 : i32 to index
      %parallel_loop3A_289 = arith.constant 64 : index
      %parallel_loop3A_290 = tpu.vector_load %arg7[%parallel_loop3A_287, %parallel_loop3A_288, %parallel_loop3A_289] {strides = array<i32>} : memref<2x128x128xf32, #tpu.memory_space<vmem>>, vector<1x1x16xf32>,
      %parallel_loop3A_291 = vector.shape_cast %parallel_loop3A_290 : vector<1x1x16xf32> to vector<16xf32>
      %parallel_loop3A_292 = arith.subf %parallel_loop3A_285, %parallel_loop3A_291 : vector<16xf32>
      %parallel_loop3A_293 = arith.mulf %parallel_loop3A_292, %parallel_loop3A_292 : vector<16xf32>
      %parallel_loop3A_294 = arith.addf %parallel_loop3A_216, %parallel_loop3A_293 : vector<16xf32>
      %parallel_loop3A_295 = arith.constant 256 : i32
      %parallel_loop3A_296 = arith.addi %parallel_loop3A_295, %parallel_loop3A_211 : i32
      %parallel_loop3A_297 = arith.index_cast %parallel_loop3A_296 : i32 to index
      %parallel_loop3A_298 = arith.constant 80 : index
      %parallel_loop3A_299 = tpu.vector_load %arg8[%parallel_loop3A_297, %parallel_loop3A_298] {strides = array<i32>} : memref<512x128xf32, #tpu.memory_space<vmem>>, vector<1x16xf32>,
      %parallel_loop3A_300 = vector.shape_cast %parallel_loop3A_299 : vector<1x16xf32> to vector<16xf32>
      %parallel_loop3A_301 = arith.constant 0 : i32
      %parallel_loop3A_302 = arith.index_cast %parallel_loop3A_301 : i32 to index
      %parallel_loop3A_303 = arith.index_cast %parallel_loop3A_211 : i32 to index
      %parallel_loop3A_304 = arith.constant 80 : index
      %parallel_loop3A_305 = tpu.vector_load %arg7[%parallel_loop3A_302, %parallel_loop3A_303, %parallel_loop3A_304] {strides = array<i32>} : memref<2x128x128xf32, #tpu.memory_space<vmem>>, vector<1x1x16xf32>,
      %parallel_loop3A_306 = vector.shape_cast %parallel_loop3A_305 : vector<1x1x16xf32> to vector<16xf32>
      %parallel_loop3A_307 = arith.subf %parallel_loop3A_300, %parallel_loop3A_306 : vector<16xf32>
      %parallel_loop3A_308 = arith.mulf %parallel_loop3A_307, %parallel_loop3A_307 : vector<16xf32>
      %parallel_loop3A_309 = arith.addf %parallel_loop3A_217, %parallel_loop3A_308 : vector<16xf32>
      %parallel_loop3A_310 = arith.constant 256 : i32
      %parallel_loop3A_311 = arith.addi %parallel_loop3A_310, %parallel_loop3A_211 : i32
      %parallel_loop3A_312 = arith.index_cast %parallel_loop3A_311 : i32 to index
      %parallel_loop3A_313 = arith.constant 96 : index
      %parallel_loop3A_314 = tpu.vector_load %arg8[%parallel_loop3A_312, %parallel_loop3A_313] {strides = array<i32>} : memref<512x128xf32, #tpu.memory_space<vmem>>, vector<1x16xf32>,
      %parallel_loop3A_315 = vector.shape_cast %parallel_loop3A_314 : vector<1x16xf32> to vector<16xf32>
      %parallel_loop3A_316 = arith.constant 0 : i32
      %parallel_loop3A_317 = arith.index_cast %parallel_loop3A_316 : i32 to index
      %parallel_loop3A_318 = arith.index_cast %parallel_loop3A_211 : i32 to index
      %parallel_loop3A_319 = arith.constant 96 : index
      %parallel_loop3A_320 = tpu.vector_load %arg7[%parallel_loop3A_317, %parallel_loop3A_318, %parallel_loop3A_319] {strides = array<i32>} : memref<2x128x128xf32, #tpu.memory_space<vmem>>, vector<1x1x16xf32>,
      %parallel_loop3A_321 = vector.shape_cast %parallel_loop3A_320 : vector<1x1x16xf32> to vector<16xf32>
      %parallel_loop3A_322 = arith.subf %parallel_loop3A_315, %parallel_loop3A_321 : vector<16xf32>
      %parallel_loop3A_323 = arith.mulf %parallel_loop3A_322, %parallel_loop3A_322 : vector<16xf32>
      %parallel_loop3A_324 = arith.addf %parallel_loop3A_218, %parallel_loop3A_323 : vector<16xf32>
      %parallel_loop3A_325 = arith.constant 256 : i32
      %parallel_loop3A_326 = arith.addi %parallel_loop3A_325, %parallel_loop3A_211 : i32
      %parallel_loop3A_327 = arith.index_cast %parallel_loop3A_326 : i32 to index
      %parallel_loop3A_328 = arith.constant 112 : index
      %parallel_loop3A_329 = tpu.vector_load %arg8[%parallel_loop3A_327, %parallel_loop3A_328] {strides = array<i32>} : memref<512x128xf32, #tpu.memory_space<vmem>>, vector<1x16xf32>,
      %parallel_loop3A_330 = vector.shape_cast %parallel_loop3A_329 : vector<1x16xf32> to vector<16xf32>
      %parallel_loop3A_331 = arith.constant 0 : i32
      %parallel_loop3A_332 = arith.index_cast %parallel_loop3A_331 : i32 to index
      %parallel_loop3A_333 = arith.index_cast %parallel_loop3A_211 : i32 to index
      %parallel_loop3A_334 = arith.constant 112 : index
      %parallel_loop3A_335 = tpu.vector_load %arg7[%parallel_loop3A_332, %parallel_loop3A_333, %parallel_loop3A_334] {strides = array<i32>} : memref<2x128x128xf32, #tpu.memory_space<vmem>>, vector<1x1x16xf32>,
      %parallel_loop3A_336 = vector.shape_cast %parallel_loop3A_335 : vector<1x1x16xf32> to vector<16xf32>
      %parallel_loop3A_337 = arith.subf %parallel_loop3A_330, %parallel_loop3A_336 : vector<16xf32>
      %parallel_loop3A_338 = arith.mulf %parallel_loop3A_337, %parallel_loop3A_337 : vector<16xf32>
      %parallel_loop3A_339 = arith.addf %parallel_loop3A_219, %parallel_loop3A_338 : vector<16xf32>
      scf.yield %parallel_loop3A_234, %parallel_loop3A_249, %parallel_loop3A_264, %parallel_loop3A_279, %parallel_loop3A_294, %parallel_loop3A_309, %parallel_loop3A_324, %parallel_loop3A_339 : vector<16xf32>, vector<16xf32>, vector<16xf32>, vector<16xf32>, vector<16xf32>, vector<16xf32>, vector<16xf32>, vector<16xf32>
    } {sc.loop_unroll_factor = 2 : i64, sc.parallel_access}
    %dma_wait3A_175 = arith.constant 1 : i32
    %dma_wait3A_176 = arith.constant 0 : i32
    %dma_wait3A_177 = arith.constant 0 : i32
    %dma_wait3A_178 = tpu.memref_slice %arg7[%dma_wait3A_175, %dma_wait3A_176, %dma_wait3A_177] : memref<2x128x128xf32, #tpu.memory_space<vmem>> -> memref<1x128x128xf32, #tpu.memory_space<vmem>>
    %dma_wait3A_179 = tpu.memref_squeeze %dma_wait3A_178 : memref<1x128x128xf32, #tpu.memory_space<vmem>> -> memref<128x128xf32, #tpu.memory_space<vmem>>
    %dma_wait3A_180 = arith.constant 384 : i32
    %dma_wait3A_181 = tpu.memref_slice %arg6[%dma_wait3A_180] : memref<512xi32, #tpu.memory_space<vmem>> -> memref<128xi32, #tpu.memory_space<vmem>>
    %dma_wait3A_182 = arith.constant 0 : i32
    %dma_wait3A_183 = arith.constant 0 : i32
    %dma_wait3A_184 = tpu.memref_slice %arg4[%dma_wait3A_182, %dma_wait3A_183] : memref<100000x128xf32, #tpu.memory_space<hbm>> -> memref<100000x128xf32, #tpu.memory_space<hbm>>
    tpu.wait_indirect_dma semaphore(%arg11 : memref<!tpu.dma_semaphore, #tpu.memory_space<semaphore_mem>>) src(%dma_wait3A_184 : memref<100000x128xf32, #tpu.memory_space<hbm>>) dst(%dma_wait3A_179 : memref<128x128xf32, #tpu.memory_space<vmem>>)
    %dma_wait3A_185 = arith.constant 384 : i32
    %dma_wait3A_186 = arith.constant 0 : i32
    %dma_wait3A_187 = tpu.memref_slice %arg8[%dma_wait3A_185, %dma_wait3A_186] : memref<512x128xf32, #tpu.memory_space<vmem>> -> memref<128x128xf32, #tpu.memory_space<vmem>>
    %dma_wait3A_188 = arith.constant 0 : i32
    %dma_wait3A_189 = tpu.memref_slice %arg2[%add3A_39, %dma_wait3A_188] : memref<16384x128xf32, #tpu.memory_space<hbm>> -> memref<128x128xf32, #tpu.memory_space<hbm>>
    %dma_wait3A_190 = arith.constant 384 : i32
    %dma_wait3A_191 = arith.constant 0 : i32
    %dma_wait3A_192 = tpu.memref_slice %arg8[%dma_wait3A_190, %dma_wait3A_191] : memref<512x128xf32, #tpu.memory_space<vmem>> -> memref<128x128xf32, #tpu.memory_space<vmem>>
    %dma_wait3A_193 = arith.constant 0 : i32
    %dma_wait3A_194 = tpu.memref_slice %arg2[%add3A_39, %dma_wait3A_193] : memref<16384x128xf32, #tpu.memory_space<hbm>> -> memref<128x128xf32, #tpu.memory_space<hbm>>
    tpu.wait_dma2 semaphore(%arg15 : memref<!tpu.dma_semaphore, #tpu.memory_space<semaphore_mem>>) src(%dma_wait3A_194 : memref<128x128xf32, #tpu.memory_space<hbm>>) dst(%dma_wait3A_192 : memref<128x128xf32, #tpu.memory_space<vmem>>)
    %parallel_loop3A_195 = arith.constant 0 : i32
    %parallel_loop3A_196 = arith.constant 128 : i32
    %parallel_loop3A_197 = arith.constant 1 : i32
    %parallel_loop3A_198:8 = scf.for %parallel_loop3A_211 = %parallel_loop3A_195 to %parallel_loop3A_196 step %parallel_loop3A_197 iter_args(%parallel_loop3A_212 = %parallel_loop3A_174#0, %parallel_loop3A_213 = %parallel_loop3A_174#1, %parallel_loop3A_214 = %parallel_loop3A_174#2, %parallel_loop3A_215 = %parallel_loop3A_174#3, %parallel_loop3A_216 = %parallel_loop3A_174#4, %parallel_loop3A_217 = %parallel_loop3A_174#5, %parallel_loop3A_218 = %parallel_loop3A_174#6, %parallel_loop3A_219 = %parallel_loop3A_174#7) -> (vector<16xf32>, vector<16xf32>, vector<16xf32>, vector<16xf32>, vector<16xf32>, vector<16xf32>, vector<16xf32>, vector<16xf32>)  : i32 {
      %parallel_loop3A_220 = arith.constant 384 : i32
      %parallel_loop3A_221 = arith.addi %parallel_loop3A_220, %parallel_loop3A_211 : i32
      %parallel_loop3A_222 = arith.index_cast %parallel_loop3A_221 : i32 to index
      %parallel_loop3A_223 = arith.constant 0 : index
      %parallel_loop3A_224 = tpu.vector_load %arg8[%parallel_loop3A_222, %parallel_loop3A_223] {strides = array<i32>} : memref<512x128xf32, #tpu.memory_space<vmem>>, vector<1x16xf32>,
      %parallel_loop3A_225 = vector.shape_cast %parallel_loop3A_224 : vector<1x16xf32> to vector<16xf32>
      %parallel_loop3A_226 = arith.constant 1 : i32
      %parallel_loop3A_227 = arith.index_cast %parallel_loop3A_226 : i32 to index
      %parallel_loop3A_228 = arith.index_cast %parallel_loop3A_211 : i32 to index
      %parallel_loop3A_229 = arith.constant 0 : index
      %parallel_loop3A_230 = tpu.vector_load %arg7[%parallel_loop3A_227, %parallel_loop3A_228, %parallel_loop3A_229] {strides = array<i32>} : memref<2x128x128xf32, #tpu.memory_space<vmem>>, vector<1x1x16xf32>,
      %parallel_loop3A_231 = vector.shape_cast %parallel_loop3A_230 : vector<1x1x16xf32> to vector<16xf32>
      %parallel_loop3A_232 = arith.subf %parallel_loop3A_225, %parallel_loop3A_231 : vector<16xf32>
      %parallel_loop3A_233 = arith.mulf %parallel_loop3A_232, %parallel_loop3A_232 : vector<16xf32>
      %parallel_loop3A_234 = arith.addf %parallel_loop3A_212, %parallel_loop3A_233 : vector<16xf32>
      %parallel_loop3A_235 = arith.constant 384 : i32
      %parallel_loop3A_236 = arith.addi %parallel_loop3A_235, %parallel_loop3A_211 : i32
      %parallel_loop3A_237 = arith.index_cast %parallel_loop3A_236 : i32 to index
      %parallel_loop3A_238 = arith.constant 16 : index
      %parallel_loop3A_239 = tpu.vector_load %arg8[%parallel_loop3A_237, %parallel_loop3A_238] {strides = array<i32>} : memref<512x128xf32, #tpu.memory_space<vmem>>, vector<1x16xf32>,
      %parallel_loop3A_240 = vector.shape_cast %parallel_loop3A_239 : vector<1x16xf32> to vector<16xf32>
      %parallel_loop3A_241 = arith.constant 1 : i32
      %parallel_loop3A_242 = arith.index_cast %parallel_loop3A_241 : i32 to index
      %parallel_loop3A_243 = arith.index_cast %parallel_loop3A_211 : i32 to index
      %parallel_loop3A_244 = arith.constant 16 : index
      %parallel_loop3A_245 = tpu.vector_load %arg7[%parallel_loop3A_242, %parallel_loop3A_243, %parallel_loop3A_244] {strides = array<i32>} : memref<2x128x128xf32, #tpu.memory_space<vmem>>, vector<1x1x16xf32>,
      %parallel_loop3A_246 = vector.shape_cast %parallel_loop3A_245 : vector<1x1x16xf32> to vector<16xf32>
      %parallel_loop3A_247 = arith.subf %parallel_loop3A_240, %parallel_loop3A_246 : vector<16xf32>
      %parallel_loop3A_248 = arith.mulf %parallel_loop3A_247, %parallel_loop3A_247 : vector<16xf32>
      %parallel_loop3A_249 = arith.addf %parallel_loop3A_213, %parallel_loop3A_248 : vector<16xf32>
      %parallel_loop3A_250 = arith.constant 384 : i32
      %parallel_loop3A_251 = arith.addi %parallel_loop3A_250, %parallel_loop3A_211 : i32
      %parallel_loop3A_252 = arith.index_cast %parallel_loop3A_251 : i32 to index
      %parallel_loop3A_253 = arith.constant 32 : index
      %parallel_loop3A_254 = tpu.vector_load %arg8[%parallel_loop3A_252, %parallel_loop3A_253] {strides = array<i32>} : memref<512x128xf32, #tpu.memory_space<vmem>>, vector<1x16xf32>,
      %parallel_loop3A_255 = vector.shape_cast %parallel_loop3A_254 : vector<1x16xf32> to vector<16xf32>
      %parallel_loop3A_256 = arith.constant 1 : i32
      %parallel_loop3A_257 = arith.index_cast %parallel_loop3A_256 : i32 to index
      %parallel_loop3A_258 = arith.index_cast %parallel_loop3A_211 : i32 to index
      %parallel_loop3A_259 = arith.constant 32 : index
      %parallel_loop3A_260 = tpu.vector_load %arg7[%parallel_loop3A_257, %parallel_loop3A_258, %parallel_loop3A_259] {strides = array<i32>} : memref<2x128x128xf32, #tpu.memory_space<vmem>>, vector<1x1x16xf32>,
      %parallel_loop3A_261 = vector.shape_cast %parallel_loop3A_260 : vector<1x1x16xf32> to vector<16xf32>
      %parallel_loop3A_262 = arith.subf %parallel_loop3A_255, %parallel_loop3A_261 : vector<16xf32>
      %parallel_loop3A_263 = arith.mulf %parallel_loop3A_262, %parallel_loop3A_262 : vector<16xf32>
      %parallel_loop3A_264 = arith.addf %parallel_loop3A_214, %parallel_loop3A_263 : vector<16xf32>
      %parallel_loop3A_265 = arith.constant 384 : i32
      %parallel_loop3A_266 = arith.addi %parallel_loop3A_265, %parallel_loop3A_211 : i32
      %parallel_loop3A_267 = arith.index_cast %parallel_loop3A_266 : i32 to index
      %parallel_loop3A_268 = arith.constant 48 : index
      %parallel_loop3A_269 = tpu.vector_load %arg8[%parallel_loop3A_267, %parallel_loop3A_268] {strides = array<i32>} : memref<512x128xf32, #tpu.memory_space<vmem>>, vector<1x16xf32>,
      %parallel_loop3A_270 = vector.shape_cast %parallel_loop3A_269 : vector<1x16xf32> to vector<16xf32>
      %parallel_loop3A_271 = arith.constant 1 : i32
      %parallel_loop3A_272 = arith.index_cast %parallel_loop3A_271 : i32 to index
      %parallel_loop3A_273 = arith.index_cast %parallel_loop3A_211 : i32 to index
      %parallel_loop3A_274 = arith.constant 48 : index
      %parallel_loop3A_275 = tpu.vector_load %arg7[%parallel_loop3A_272, %parallel_loop3A_273, %parallel_loop3A_274] {strides = array<i32>} : memref<2x128x128xf32, #tpu.memory_space<vmem>>, vector<1x1x16xf32>,
      %parallel_loop3A_276 = vector.shape_cast %parallel_loop3A_275 : vector<1x1x16xf32> to vector<16xf32>
      %parallel_loop3A_277 = arith.subf %parallel_loop3A_270, %parallel_loop3A_276 : vector<16xf32>
      %parallel_loop3A_278 = arith.mulf %parallel_loop3A_277, %parallel_loop3A_277 : vector<16xf32>
      %parallel_loop3A_279 = arith.addf %parallel_loop3A_215, %parallel_loop3A_278 : vector<16xf32>
      %parallel_loop3A_280 = arith.constant 384 : i32
      %parallel_loop3A_281 = arith.addi %parallel_loop3A_280, %parallel_loop3A_211 : i32
      %parallel_loop3A_282 = arith.index_cast %parallel_loop3A_281 : i32 to index
      %parallel_loop3A_283 = arith.constant 64 : index
      %parallel_loop3A_284 = tpu.vector_load %arg8[%parallel_loop3A_282, %parallel_loop3A_283] {strides = array<i32>} : memref<512x128xf32, #tpu.memory_space<vmem>>, vector<1x16xf32>,
      %parallel_loop3A_285 = vector.shape_cast %parallel_loop3A_284 : vector<1x16xf32> to vector<16xf32>
      %parallel_loop3A_286 = arith.constant 1 : i32
      %parallel_loop3A_287 = arith.index_cast %parallel_loop3A_286 : i32 to index
      %parallel_loop3A_288 = arith.index_cast %parallel_loop3A_211 : i32 to index
      %parallel_loop3A_289 = arith.constant 64 : index
      %parallel_loop3A_290 = tpu.vector_load %arg7[%parallel_loop3A_287, %parallel_loop3A_288, %parallel_loop3A_289] {strides = array<i32>} : memref<2x128x128xf32, #tpu.memory_space<vmem>>, vector<1x1x16xf32>,
      %parallel_loop3A_291 = vector.shape_cast %parallel_loop3A_290 : vector<1x1x16xf32> to vector<16xf32>
      %parallel_loop3A_292 = arith.subf %parallel_loop3A_285, %parallel_loop3A_291 : vector<16xf32>
      %parallel_loop3A_293 = arith.mulf %parallel_loop3A_292, %parallel_loop3A_292 : vector<16xf32>
      %parallel_loop3A_294 = arith.addf %parallel_loop3A_216, %parallel_loop3A_293 : vector<16xf32>
      %parallel_loop3A_295 = arith.constant 384 : i32
      %parallel_loop3A_296 = arith.addi %parallel_loop3A_295, %parallel_loop3A_211 : i32
      %parallel_loop3A_297 = arith.index_cast %parallel_loop3A_296 : i32 to index
      %parallel_loop3A_298 = arith.constant 80 : index
      %parallel_loop3A_299 = tpu.vector_load %arg8[%parallel_loop3A_297, %parallel_loop3A_298] {strides = array<i32>} : memref<512x128xf32, #tpu.memory_space<vmem>>, vector<1x16xf32>,
      %parallel_loop3A_300 = vector.shape_cast %parallel_loop3A_299 : vector<1x16xf32> to vector<16xf32>
      %parallel_loop3A_301 = arith.constant 1 : i32
      %parallel_loop3A_302 = arith.index_cast %parallel_loop3A_301 : i32 to index
      %parallel_loop3A_303 = arith.index_cast %parallel_loop3A_211 : i32 to index
      %parallel_loop3A_304 = arith.constant 80 : index
      %parallel_loop3A_305 = tpu.vector_load %arg7[%parallel_loop3A_302, %parallel_loop3A_303, %parallel_loop3A_304] {strides = array<i32>} : memref<2x128x128xf32, #tpu.memory_space<vmem>>, vector<1x1x16xf32>,
      %parallel_loop3A_306 = vector.shape_cast %parallel_loop3A_305 : vector<1x1x16xf32> to vector<16xf32>
      %parallel_loop3A_307 = arith.subf %parallel_loop3A_300, %parallel_loop3A_306 : vector<16xf32>
      %parallel_loop3A_308 = arith.mulf %parallel_loop3A_307, %parallel_loop3A_307 : vector<16xf32>
      %parallel_loop3A_309 = arith.addf %parallel_loop3A_217, %parallel_loop3A_308 : vector<16xf32>
      %parallel_loop3A_310 = arith.constant 384 : i32
      %parallel_loop3A_311 = arith.addi %parallel_loop3A_310, %parallel_loop3A_211 : i32
      %parallel_loop3A_312 = arith.index_cast %parallel_loop3A_311 : i32 to index
      %parallel_loop3A_313 = arith.constant 96 : index
      %parallel_loop3A_314 = tpu.vector_load %arg8[%parallel_loop3A_312, %parallel_loop3A_313] {strides = array<i32>} : memref<512x128xf32, #tpu.memory_space<vmem>>, vector<1x16xf32>,
      %parallel_loop3A_315 = vector.shape_cast %parallel_loop3A_314 : vector<1x16xf32> to vector<16xf32>
      %parallel_loop3A_316 = arith.constant 1 : i32
      %parallel_loop3A_317 = arith.index_cast %parallel_loop3A_316 : i32 to index
      %parallel_loop3A_318 = arith.index_cast %parallel_loop3A_211 : i32 to index
      %parallel_loop3A_319 = arith.constant 96 : index
      %parallel_loop3A_320 = tpu.vector_load %arg7[%parallel_loop3A_317, %parallel_loop3A_318, %parallel_loop3A_319] {strides = array<i32>} : memref<2x128x128xf32, #tpu.memory_space<vmem>>, vector<1x1x16xf32>,
      %parallel_loop3A_321 = vector.shape_cast %parallel_loop3A_320 : vector<1x1x16xf32> to vector<16xf32>
      %parallel_loop3A_322 = arith.subf %parallel_loop3A_315, %parallel_loop3A_321 : vector<16xf32>
      %parallel_loop3A_323 = arith.mulf %parallel_loop3A_322, %parallel_loop3A_322 : vector<16xf32>
      %parallel_loop3A_324 = arith.addf %parallel_loop3A_218, %parallel_loop3A_323 : vector<16xf32>
      %parallel_loop3A_325 = arith.constant 384 : i32
      %parallel_loop3A_326 = arith.addi %parallel_loop3A_325, %parallel_loop3A_211 : i32
      %parallel_loop3A_327 = arith.index_cast %parallel_loop3A_326 : i32 to index
      %parallel_loop3A_328 = arith.constant 112 : index
      %parallel_loop3A_329 = tpu.vector_load %arg8[%parallel_loop3A_327, %parallel_loop3A_328] {strides = array<i32>} : memref<512x128xf32, #tpu.memory_space<vmem>>, vector<1x16xf32>,
      %parallel_loop3A_330 = vector.shape_cast %parallel_loop3A_329 : vector<1x16xf32> to vector<16xf32>
      %parallel_loop3A_331 = arith.constant 1 : i32
      %parallel_loop3A_332 = arith.index_cast %parallel_loop3A_331 : i32 to index
      %parallel_loop3A_333 = arith.index_cast %parallel_loop3A_211 : i32 to index
      %parallel_loop3A_334 = arith.constant 112 : index
      %parallel_loop3A_335 = tpu.vector_load %arg7[%parallel_loop3A_332, %parallel_loop3A_333, %parallel_loop3A_334] {strides = array<i32>} : memref<2x128x128xf32, #tpu.memory_space<vmem>>, vector<1x1x16xf32>,
      %parallel_loop3A_336 = vector.shape_cast %parallel_loop3A_335 : vector<1x1x16xf32> to vector<16xf32>
      %parallel_loop3A_337 = arith.subf %parallel_loop3A_330, %parallel_loop3A_336 : vector<16xf32>
      %parallel_loop3A_338 = arith.mulf %parallel_loop3A_337, %parallel_loop3A_337 : vector<16xf32>
      %parallel_loop3A_339 = arith.addf %parallel_loop3A_219, %parallel_loop3A_338 : vector<16xf32>
      scf.yield %parallel_loop3A_234, %parallel_loop3A_249, %parallel_loop3A_264, %parallel_loop3A_279, %parallel_loop3A_294, %parallel_loop3A_309, %parallel_loop3A_324, %parallel_loop3A_339 : vector<16xf32>, vector<16xf32>, vector<16xf32>, vector<16xf32>, vector<16xf32>, vector<16xf32>, vector<16xf32>, vector<16xf32>
    } {sc.loop_unroll_factor = 2 : i64, sc.parallel_access}
    %add3A_199 = arith.addf %parallel_loop3A_198#0, %parallel_loop3A_198#1 : vector<16xf32>
    %add3A_200 = arith.addf %add3A_199, %parallel_loop3A_198#2 : vector<16xf32>
    %add3A_201 = arith.addf %add3A_200, %parallel_loop3A_198#3 : vector<16xf32>
    %add3A_202 = arith.addf %add3A_201, %parallel_loop3A_198#4 : vector<16xf32>
    %add3A_203 = arith.addf %add3A_202, %parallel_loop3A_198#5 : vector<16xf32>
    %add3A_204 = arith.addf %add3A_203, %parallel_loop3A_198#6 : vector<16xf32>
    %add3A_205 = arith.addf %add3A_204, %parallel_loop3A_198#7 : vector<16xf32>
    %swap3A = arith.constant 0 : index
    %swap3A_206 = tpu.vector_load %arg9[%swap3A] {strides = array<i32>} : memref<16xf32, #tpu.memory_space<vmem>>, vector<16xf32>,
    %swap3A_207 = vector.shape_cast %swap3A_206 : vector<16xf32> to vector<16xf32>
    %swap3A_208 = vector.shape_cast %add3A_205 : vector<16xf32> to vector<16xf32>
    tpu.vector_store %arg9[%swap3A], %swap3A_208 {strides = array<i32>} : memref<16xf32, #tpu.memory_space<vmem>>, vector<16xf32>,
    %mul3A_209 = arith.constant 16 : i32
    %mul3A_210 = arith.muli %add3A, %mul3A_209 : i32
    "tpu.region"() ({
      %run_scoped3A = tpu.sem_alloc : memref<!tpu.dma_semaphore, #tpu.memory_space<semaphore_mem>>
      %dma_start3A_211 = tpu.memref_slice %arg5[%mul3A_210] : memref<512xf32, #tpu.memory_space<hbm>> -> memref<16xf32, #tpu.memory_space<hbm>>
      %dma_start3A_212 = tpu.memref_slice %arg5[%mul3A_210] : memref<512xf32, #tpu.memory_space<hbm>> -> memref<16xf32, #tpu.memory_space<hbm>>
      tpu.enqueue_dma source(%arg9 : memref<16xf32, #tpu.memory_space<vmem>>) target(%dma_start3A_212 : memref<16xf32, #tpu.memory_space<hbm>>) target_semaphore(%run_scoped3A : memref<!tpu.dma_semaphore, #tpu.memory_space<semaphore_mem>>)
      %dma_wait3A_213 = tpu.memref_slice %arg5[%mul3A_210] : memref<512xf32, #tpu.memory_space<hbm>> -> memref<16xf32, #tpu.memory_space<hbm>>
      %dma_wait3A_214 = tpu.memref_slice %arg5[%mul3A_210] : memref<512xf32, #tpu.memory_space<hbm>> -> memref<16xf32, #tpu.memory_space<hbm>>
      tpu.wait_dma2 semaphore(%run_scoped3A : memref<!tpu.dma_semaphore, #tpu.memory_space<semaphore_mem>>) src(%arg9 : memref<16xf32, #tpu.memory_space<vmem>>) dst(%dma_wait3A_214 : memref<16xf32, #tpu.memory_space<hbm>>)
      tpu.yield
    }) : () -> ()
    return
  }
}

</mosaic_0001>

<sc_bundles>
// kernel: kernel.3.cloned.1.call-start
scs
__scs_entry_jumppad:
0x0: {  	(pc) =	sbr.rel $0x88, $3  }
0x1: {  	(tag) =	ssettag $0x0;
	lr =	simm.s32 $0x1  }
0x2: {  	[smem:$0x3F9E] =	sst lr;
	_ =	strace $0xD0000000  }
0x3: {  	_ = 	snop  }
0x4: {  	_ = 	snop  }
0x5: {  	_ = 	snop  }
0x6: {  	_ = 	snop  }
0x7: {  	_ = 	snop  }
__scs_overlays_trampoline_lowered:
0x8: {  	[smem:$0x3FAD] =	sst s0  }
0x9: {  	[smem:$0x3FAE] =	sst s1  }
0xa: {  	[smem:$0x3FAF] =	sst s2  }
0xb: {  	[smem:$0x3FB0] =	sst s3  }
0xc: {  	[smem:$0x3FB1] =	sst s4  }
0xd: {  	[smem:$0x3FB2] =	sst s5  }
0xe: {  	[smem:$0x3FB3] =	sst s6  }
0xf: {  	[smem:$0x3FB4] =	sst s7  }
0x10: {  	[smem:$0x3FB5] =	sst s8  }
0x11: {  	[smem:$0x3FB6] =	sst s9;
	s0 =	simm.s32 @!p0 $0x0  }
0x12: {  	s1 =	sld [smem:$0x3F9C];
	s0 =	simm.s32 @p0 $0x1  }
0x13: {  	[smem:$0x3FB7] =	sst s0;
	s0 =	simm.s32 @!p1 $0x0  }
0x14: {  	s2 =	sld [smem:$0x3F9B];
	s0 =	simm.s32 @p1 $0x1  }
0x15: {  	[smem:$0x3FB8] =	sst s0;
	s0 =	simm.s32 @!p2 $0x0  }
0x16: {  	s3 =	sld [smem:$0x3FDB];
	s0 =	simm.s32 @p2 $0x1  }
0x17: {  	s4 =	simm.s32 $0x1BF5;
	[smem:$0x3FBA] =	sst s0  }
0x18: {  	s0 =	sld [smem:$0x3F9D];
	_ =	swait.ge [sflag:s4], $0x0  }
0x19: {  	s7 =	sld [smem:$0x3F9E]  }
0x1a: {  	s8 =	sadd.s32 $0xFFFFE003, lr  }
0x1b: {  	s9 =	sadd.s32 $0xFFFFFEF7, lr;
	s5 =	simm.s32 $0xFFFFFFFF;
	p2 =	slt.u32 s8, $0xFFFFF086  }
0x1c: {  	p1 =	slt.u32 s9, $0xF7A;
	s5 =	simm.s32 @!p2 $0x0  }
0x1d: {  	s5 =	simm.s32 @p1 $0x1;
	p0 =	seq.s32 s7, s2  }
0x1e: {  	s7 =	smul.u32 @!p0 $0xF7A, s2;
	p2 =	seq.s32 @!p0 s5, $0x0  }
0x1f: {  	s9 =	smul.u32 $0xF7A, s1;
	s8 =	simm.s32 @!p0 $0x1BF5;
	p2 =	por !p2, p0  }
0x20: {  	[sflag:s8] =	ssyncset.s32 @!p0 $0xFFFFF086;
	s6 =	sadd.s32 @!p0 s3, s7;
	s7 =	simm.s32 @!p0 $0x108  }
0x21: {  	s3 =	sadd.s32 s3, s9;
	s6 =	sadd.s32 @!p0 $0x88, s6;
	s7 =	simm.s32 @p2 $0x1082  }
0x22: {  	[simem:s7], [sflag:s8] =	dma.local @!p0 [hbm:s6], $0xF7A  }
0x23: {  	s9 =	sor.u32 $0xD0000000, s2;
	s6 =	simm.s32 $0x108;
	_ =	swait.ge @!p0 [sflag:s8], $0x0  }
0x24: {  	s3 =	sadd.s32 $0x88, s3;
	s6 =	simm.s32 @!p1 $0x1082;
	[sflag:s4] =	ssyncset.s32 $0xFFFFF086  }
0x25: {  	[simem:s6], [sflag:s4] =	dma.local [hbm:s3], $0xF7A  }
0x26: {  	[smem:$0x3F9E] =	sst s1;
	(tag) =	ssettag s2;
	_ =	strace s9  }
0x27: {  	s1 =	sld [smem:$0x3FAE]  }
0x28: {  	s2 =	sld [smem:$0x3FAF]  }
0x29: {  	s4 =	sld [smem:$0x3FB1]  }
0x2a: {  	p0 =	seq.s32 s5, $0x0;
	s5 =	sld [smem:$0x3FB2]  }
0x2b: {  	s6 =	sld [smem:$0x3FB3]  }
0x2c: {  	s7 =	sld [smem:$0x3FB4]  }
0x2d: {  	s3 =	simm.s32 $0x108;
	s8 =	sld [smem:$0x3FB5]  }
0x2e: {  	s3 =	simm.s32 @!p0 $0x1082;
	s9 =	sld [smem:$0x3FB6]  }
0x2f: {  	lr =	sadd.s32 s0, s3;
	s0 =	sld [smem:$0x3FAD]  }
0x30: {  	s3 =	sld [smem:$0x3FB0]  }
0x31: {  	[smem:$0x3FB9] =	sst s10  }
0x32: {  	s10 =	sld [smem:$0x3FB7];
	_ =	sdelay $0x3  }
0x33: {  	p0 =	seq.s32 s10, $0x1;
	s10 =	sld [smem:$0x3FB9];
	_ =	sdelay $0x3  }
0x34: {  	[smem:$0x3FB9] =	sst s10  }
0x35: {  	s10 =	sld [smem:$0x3FB8];
	_ =	sdelay $0x3  }
0x36: {  	p1 =	seq.s32 s10, $0x1;
	s10 =	sld [smem:$0x3FB9];
	_ =	sdelay $0x3  }
0x37: {  	[smem:$0x3FB9] =	sst s10  }
0x38: {  	s10 =	sld [smem:$0x3FBA]  }
0x39: {  	_ = 	snop;
	(pc) =	sbr.ind lr, $3  }
0x3a: {  	_ = 	snop  }
0x3b: {  	_ = 	snop  }
0x3c: {  	p2 =	seq.s32 s10, $0x1;
	s10 =	sld [smem:$0x3FB9]  }
0x3d: {  	_ =	shalt  }
0x3e: {  	_ =	shalt  }
0x3f: {  	_ =	shalt  }
0x40: {  	_ =	shalt  }
0x41: {  	_ =	shalt  }
0x42: {  	_ =	shalt  }
0x43: {  	_ =	shalt  }
0x44: {  	_ =	shalt  }
0x45: {  	_ =	shalt  }
0x46: {  	_ =	shalt  }
0x47: {  	_ =	shalt  }
0x48: {  	_ =	shalt  }
0x49: {  	_ =	shalt  }
0x4a: {  	_ =	shalt  }
0x4b: {  	_ =	shalt  }
0x4c: {  	_ =	shalt  }
0x4d: {  	_ =	shalt  }
0x4e: {  	_ =	shalt  }
0x4f: {  	_ =	shalt  }
0x50: {  	_ =	shalt  }
0x51: {  	_ =	shalt  }
0x52: {  	_ =	shalt  }
0x53: {  	_ =	shalt  }
0x54: {  	_ =	shalt  }
0x55: {  	_ =	shalt  }
0x56: {  	_ =	shalt  }
0x57: {  	_ =	shalt  }
0x58: {  	_ =	shalt  }
0x59: {  	_ =	shalt  }
0x5a: {  	_ =	shalt  }
0x5b: {  	_ =	shalt  }
0x5c: {  	_ =	shalt  }
0x5d: {  	_ =	shalt  }
0x5e: {  	_ =	shalt  }
0x5f: {  	_ =	shalt  }
0x60: {  	_ =	shalt  }
0x61: {  	_ =	shalt  }
0x62: {  	_ =	shalt  }
0x63: {  	_ =	shalt  }
0x64: {  	_ =	shalt  }
0x65: {  	_ =	shalt  }
0x66: {  	_ =	shalt  }
0x67: {  	_ =	shalt  }
0x68: {  	_ =	shalt  }
0x69: {  	_ =	shalt  }
0x6a: {  	_ =	shalt  }
0x6b: {  	_ =	shalt  }
0x6c: {  	_ =	shalt  }
0x6d: {  	_ =	shalt  }
0x6e: {  	_ =	shalt  }
0x6f: {  	_ =	shalt  }
0x70: {  	_ =	shalt  }
0x71: {  	_ =	shalt  }
0x72: {  	_ =	shalt  }
0x73: {  	_ =	shalt  }
0x74: {  	_ =	shalt  }
0x75: {  	_ =	shalt  }
0x76: {  	_ =	shalt  }
0x77: {  	_ =	shalt  }
0x78: {  	_ =	shalt  }
0x79: {  	_ =	shalt  }
0x7a: {  	_ =	shalt  }
0x7b: {  	_ =	shalt  }
0x7c: {  	_ =	shalt  }
0x7d: {  	_ =	shalt  }
0x7e: {  	_ =	shalt  }
0x7f: {  	_ =	shalt  }
0x80: {  	_ =	shalt  }
0x81: {  	_ =	shalt  }
0x82: {  	_ =	shalt  }
0x83: {  	_ =	shalt  }
0x84: {  	_ =	shalt  }
0x85: {  	_ =	shalt  }
0x86: {  	_ =	shalt  }
0x87: {  	_ =	shalt  }
.Lfunc_end0:
.L_simem_size_0:
called_computation_lowered:
.L_overlay_start_0:
0x88: {  	s2 =	sld [smem:$0x3FD9]  }
0x89: {  	s3 =	sld [smem:$0x3FFE];
	_ =	sdelay $0x1  }
0x8a: {  	s1 =	srdreg.scid  }
0x8b: {  	s0 =	sand.u32 $0x1, s1  }
0x8c: {  	s17 =	sshll.u32 s0, $0xA;
	s2 =	sadd.s32 s3, s2  }
0x8d: {  	s2 =	sadd.s32 s2, s17  }
0x8e: {  	[smem:$0x3FC5] =	sst s2  }
0x8f: {  	_ = 	snop  }
0x90: {  	s2 =	sld [smem:$0x3FC9]  }
0x91: {  	s18 =	sld [smem:$0x3FC8]  }
0x92: {  	s4 =	sld [smem:$0x3FC7];
	(tm) =	ssettm $0x1  }
0x93: {  	s5 =	sld [smem:$0x3FFB];
	_ =	sdelay $0x3  }
0x94: {  	_ =	strace s5  }
0x95: {  	s5 =	sld [smem:$0x3FFC];
	_ =	sdelay $0x3  }
0x96: {  	_ =	strace s5  }
0x97: {  	s5 =	sld [smem:$0x3FFD];
	_ =	sdelay $0x3  }
0x98: {  	_ =	strace s5  }
0x99: {  	_ =	strace $0x8FFFFFFF  }
0x9a: {  	s19 =	sld [smem:$0x3FDB];
	_ =	sdelay $0x1  }
0x9b: {  	s6 =	simm.s32 $_scs_section_size  }
0x9c: {  	s7 =	simm.s32 $_size__tile_overlayer_lowered;
	s8 =	simm.s32 $_tile_overlayer_lowered  }
0x9d: {  	s22 =	simm.s32 $0x1BFF;
	s21 =	sshll.u32 s8, $0x1;
	s5 =	sadd.s32 s6, s19  }
0x9e: {  	s9 =	simm.s32 $0x0;
	s20 =	sshll.u32 s7, $0x1;
	s7 =	sadd.s32 s21, s5  }
0x9f: {  	[timem:s9], [sflag:s22] =	dma.local [hbm:s7], s20  }
0xa0: {  	_ =	swait.ge [sflag:s22], s20  }
0xa1: {  	s6 =	ssub.s32 $0x0, s20;
	[sflag:s22] =	ssyncset.done $0x0  }
0xa2: {  	[sflag:s22] =	ssyncadd.s32 s6;
	_ =	sdelay $0x1  }
0xa3: {  	s23 =	simm.s32 $0x1B8B  }
0xa4: {  	_ =	swait.ge [sflag:s23], $0x1  }
0xa5: {  	[sflag:s23] =	ssyncset.done $0x0  }
0xa6: {  	s25 =	simm.s32 $0x1B8E;
	s24 =	sld [smem:$0x3FFE];
	[sflag:s23] =	ssyncadd.s32 $0xFFFFFFFF  }
0xa7: {  	s26 =	simm.s32 $execute0_lowered;
	[smem:$0x3FD2] =	sst s25  }
0xa8: {  	s7 =	sshll.u32 s26, $0x1;
	_ =	strace $0x80000046;
	[dreg:$0x1] =	wrdreg $0xFFFFFFFF  }
0xa9: {  	s28 =	simm.s32 $_size_execute0_lowered;
	s5 =	sadd.s32 s5, s7;
	[dreg:$0x0] =	wrdreg $0x0  }
0xaa: {  	s7 =	sshll.u32 s28, $0x1;
	[dreg:$0x2] =	wrdreg s5  }
0xab: {  	[dreg:$0x3] =	wrdreg s7  }
0xac: {  	[dreg:$0x4] =	wrdreg $0xC0  }
0xad: {  	_ =	task [dreg:s9], $0x5FFFF  }
0xae: {  	[dreg:$0x1] =	wrdreg $0xFFFFFFFF  }
0xaf: {  	[dreg:$0x0] =	wrdreg $0x60  }
0xb0: {  	[dreg:$0x2] =	wrdreg s2  }
0xb1: {  	[dreg:$0x3] =	wrdreg s18  }
0xb2: {  	[dreg:$0x4] =	wrdreg s4  }
0xb3: {  	[dreg:$0x5] =	wrdreg s24  }
0xb4: {  	[dreg:$0x6] =	wrdreg $0x9  }
0xb5: {  	_ =	task.clear_ibuf [dreg:s9], $0x7FFFF;
	_ =	strace $0x90000046  }
0xb6: {  	s29 =	simm.s32 $0x9;
	_ =	strace $0x80000048  }
0xb7: {  	_ =	swait.ge [sflag:s29], $0x1  }
0xb8: {  	[sflag:s29] =	ssyncadd.s32 $0xFFFFFFFF  }
0xb9: {  	_ =	strace $0x90000048  }
0xba: {  	_ =	sfence  }
0xbb: {  	s30 =	sld [smem:$0x0];
	_ =	sdelay $0x2  }
0xbc: {  	s31 =	sshll.u32 s1, $0xD;
	s1 =	sshrl.u32 s1, $0x2  }
0xbd: {  	s3 =	sand.u32 $0x4000, s31;
	s1 =	sadd.s32 s1, s30  }
0xbe: {  	s0 =	sor.u32 s3, s0;
	s1 =	sshll.u32 s1, $0x11  }
0xbf: {  	s0 =	sor.u32 s1, s0  }
0xc0: {  	s0 =	sadd.s32 $0x8F2B, s0  }
0xc1: {  	[sflag:s0] =	ssyncadd.remote.s32 $0x1  }
0xc2: {  	_ =	sfence.sel $0xFFFF  }
0xc3: {  	[dreg:$0x0] =	wrdreg $0xFFFFFFFF;
	(pc) =	sbr.abs _section_cstart, $3  }
0xc4: {  	[dreg:$0x1] =	wrdreg $0xFFFFFFFF  }
0xc5: {  	_ =	task.clear_ibuf [dreg:s9], $0x2FFFF;
	_ =	strace $0x9FFFFFFF  }
0xc6: {  	(tm) =	ssettm $0x7FFFFFFF  }
0xc7: {  	_ =	shalt  }
tec
execute0_lowered:
.L_overlay_start_1:
0x0: {  	(tag) =	ssettag $0x1  }
0x1: {  	s4 =	rddreg [dreg:$0x0]  }
0x2: {  	s8 =	rddreg [dreg:$0x1]  }
0x3: {  	s2 =	rddreg [dreg:$0x2]  }
0x4: {  	s1 =	srdreg.scid;
	s0 =	stileid.u32  }
0x5: {  	s9 =	rddreg [dreg:$0x3];
	s3 =	simm.s32 $0x0;
	s13 =	simm.s32 $0x10200  }
0x6: {  	s14 =	simm.s32 $0x14200;
	s15 =	simm.s32 $0x7;
	s16 =	simm.s32 $0x80  }
0x7: {  	s17 =	simm.s32 $0x200;
	s18 =	simm.s32 $0x4200;
	s19 =	simm.s32 $0x1  }
0x8: {  	s20 =	simm.s32 $0x3;
	s21 =	simm.s32 $0x100;
	s22 =	simm.s32 $0x2  }
0x9: {  	s23 =	simm.s32 $0x4;
	s24 =	simm.s32 $0x180;
	s25 =	simm.s32 $0x5  }
0xa: {  	s26 =	simm.s32 $0x6;
	s28 =	simm.s32 $0x18200;
	s29 =	simm.s32 $0x0  }
0xb: {  	s5 =	sand.u32 $0x1, s1;
	s6 =	sshll.u32 s0, $0x1;
	s1 =	rddreg [dreg:$0x4]  }
0xc: {  	[smem:$0x7FF] =	sst s3;
	s10 =	sor.u32 s5, s6;
	s5 =	ssub.s32 $0x2, s5  }
0xd: {  	_ =	strace $0x80000047;
	s6 =	sshll.u32 s10, $0xD;
	s7 =	sshrl.u32 s5, $0x1  }
0xe: {  	s12 =	sshll.u32 s10, $0x6;
	s10 =	sshll.u32 s10, $0x1;
	s4 =	sadd.s32 s4, s6  }
0xf: {  	s11 =	ssub.s32 s5, s7;
	s8 =	sadd.s32 s8, s12;
	s9 =	sadd.s32 s9, s10  }
0x10: {  	s12 =	simm.s32 $0xC200;
	s5 =	sadd.s32 $0x800, s4;
	s6 =	sadd.s32 $0x1000, s4  }
0x11: {  	s7 =	sadd.s32 $0x1800, s4;
	s10 =	smax.u32 s11, $0x1;
	s11 =	simm.s32 $0x8200  }
.LBB2_1:
0x12: {  	[tilespmem:s11], [sflag:$0x3] =	stream.linear.gather [hbm4b:s4+s3], $0x4000, $0x38;
	[tilespmem:$0x18280] =	vst v63  }
0x13: {  	_ = 	snop  }
0x14: {  	[tilespmem:s12], [sflag:$0x4] =	stream.linear.gather [hbm4b:s5+s3], $0x4000, $0x38;
	[tilespmem:$0x18280] =	vst v63  }
0x15: {  	_ = 	snop  }
0x16: {  	[tilespmem:s13], [sflag:$0x5] =	stream.linear.gather [hbm4b:s6+s3], $0x4000, $0x38;
	[tilespmem:$0x18280] =	vst v63  }
0x17: {  	_ = 	snop  }
0x18: {  	[tilespmem:s14], [sflag:$0x6] =	stream.linear.gather [hbm4b:s7+s3], $0x4000, $0x38;
	[tilespmem:$0x18280] =	vst v63  }
0x19: {  	_ = 	snop  }
0x1a: {  	[tilespmem:s3], [sflag:$0x7] =	stream.linear.gather [hbm4b:s8+s3], $0x200, $0x38;
	[tilespmem:$0x18280] =	vst v63  }
0x1b: {  	_ =	swait.ge [sflag:s15], $0x200  }
0x1c: {  	[sflag:s15] =	ssyncset.done $0x0  }
0x1d: {  	[sflag:s15] =	ssyncadd.s32 $0xFFFFFE00  }
0x1e: {  	[tilespmem:s17], [sflag:$0x1] =	stream.indirect.gather [hbm4b:s2+s16], $0x80, s3, s16, $0xb8;
	[tilespmem:$0x18280] =	vst v63  }
0x1f: {  	_ = 	snop  }
0x20: {  	[tilespmem:s18], [sflag:$0x2] =	stream.indirect.gather [hbm4b:s2+s16], $0x80, s16, s16, $0xb8;
	[tilespmem:$0x18280] =	vst v63  }
0x21: {  	_ =	swait.ge [sflag:s19], $0x4000  }
0x22: {  	[sflag:s19] =	ssyncset.done $0x0  }
0x23: {  	[sflag:s19] =	ssyncadd.s32 $0xFFFFC000  }
0x24: {  	_ =	swait.ge [sflag:s20], $0x4000  }
0x25: {  	[sflag:s20] =	ssyncset.done $0x0  }
0x26: {  	s31 =	simm.s32 $0x0;
	[sflag:s20] =	ssyncadd.s32 $0xFFFFC000  }
0x27: {  	[tilespmem:s17], [sflag:$0x1] =	stream.indirect.gather [hbm4b:s2+s16], $0x80, s21, s16, $0xb8;
	[tilespmem:$0x18280] =	vst v63  }
0x28: {  	v0 =	vld [tilespmem:s31+$0x8270]  }
0x29: {  	v1 =	vld [tilespmem:s31+$0x270]  }
0x2a: {  	v2 =	vld [tilespmem:s31+$0x8200]  }
0x2b: {  	v3 =	vld [tilespmem:s31+$0x200]  }
0x2c: {  	v4 =	vld [tilespmem:s31+$0x8210]  }
0x2d: {  	v5 =	vld [tilespmem:s31+$0x210]  }
0x2e: {  	v6 =	vld [tilespmem:s31+$0x8220]  }
0x2f: {  	v7 =	vld [tilespmem:s31+$0x220]  }
0x30: {  	v9 =	vld [tilespmem:s31+$0x8230]  }
0x31: {  	v10 =	vld [tilespmem:s31+$0x230];
	_ =	sdelay $0x2  }
0x32: {  	v14 =	vld [tilespmem:s31+$0x8240];
	v0 =	vsub.f32 v0, v1;
	v1 =	vsub.f32 v2, v3  }
0x33: {  	v2 =	vsub.f32 v4, v5;
	v5 =	vld [tilespmem:s31+$0x240];
	v3 =	vsub.f32 v6, v7  }
0x34: {  	v8 =	vld [tilespmem:s31+$0x8250];
	v4 =	vimm.f32 $0.0e+00;
	v6 =	vsub.f32 v9, v10;
	v0 =	vmul.f32 v0, v0  }
0x35: {  	v11 =	vld [tilespmem:s31+$0x250];
	v7 =	vimm.f32 $0.0e+00;
	v1 =	vmul.f32 v1, v1;
	v2 =	vmul.f32 v2, v2  }
0x36: {  	v12 =	vld [tilespmem:s31+$0x260];
	v3 =	vmul.f32 v3, v3;
	v13 =	vmul.f32 v6, v6;
	v0 =	vadd.f32 v0, v4  }
0x37: {  	s30 =	simm.s32 $0x80;
	v9 =	vld [tilespmem:s31+$0x8260];
	v6 =	vimm.f32 $0.0e+00;
	v1 =	vadd.f32 v1, v4;
	v2 =	vadd.f32 v2, v4  }
0x38: {  	v10 =	vld [tilespmem:s30+$0x8270];
	s31 =	simm.s32 $0x400;
	v3 =	vadd.f32 v3, v4;
	v14 =	vsub.f32 v14, v5;
	v5 =	vimm.f32 $0.0e+00  }
.LBB2_2:
0x39: {  	p0 =	sne.s32 s31, $0xFE00;
	v15 =	vld [tilespmem:s30+$0x270]  }
0x3a: {  	v16 =	vld [tilespmem:s30+$0x8200];
	v4 =	vadd.f32 v13, v4;
	v13 =	vmul.f32 v14, v14;
	v8 =	vsub.f32 v8, v11  }
0x3b: {  	v11 =	vld [tilespmem:s30+$0x200]  }
0x3c: {  	v14 =	vld [tilespmem:s30+$0x8210];
	v7 =	vadd.f32 v13, v7;
	v8 =	vmul.f32 v8, v8;
	v9 =	vsub.f32 v9, v12  }
0x3d: {  	v12 =	vld [tilespmem:s30+$0x210]  }
0x3e: {  	v13 =	vld [tilespmem:s30+$0x8220];
	v10 =	vsub.f32 v10, v15;
	v6 =	vadd.f32 v8, v6;
	v8 =	vmul.f32 v9, v9  }
0x3f: {  	v9 =	vld [tilespmem:s30+$0x220]  }
0x40: {  	v11 =	vsub.f32 v16, v11;
	v15 =	vld [tilespmem:s30+$0x8230];
	v10 =	vmul.f32 v10, v10;
	v5 =	vadd.f32 v8, v5  }
0x41: {  	v16 =	vld [tilespmem:s30+$0x230]  }
0x42: {  	v8 =	vmul.f32 v11, v11;
	v11 =	vsub.f32 v14, v12;
	v14 =	vld [tilespmem:s30+$0x8240];
	v0 =	vadd.f32 v10, v0  }
0x43: {  	v17 =	vld [tilespmem:s30+$0x240]  }
.Ltmp0:
0x44: {  	v1 =	vadd.f32 v8, v1;
	v10 =	vmul.f32 v11, v11;
	v9 =	vsub.f32 v13, v9;
	v8 =	vld [tilespmem:s30+$0x8250];
	(pc) =	sbr.rel @p0 .LBB2_2-.Ltmp0, $4  }
0x45: {  	v11 =	vld [tilespmem:s30+$0x250]  }
0x46: {  	v2 =	vadd.f32 v10, v2;
	v13 =	vmul.f32 v9, v9;
	v15 =	vsub.f32 v15, v16;
	v9 =	vld [tilespmem:s30+$0x8260]  }
0x47: {  	v12 =	vld [tilespmem:s30+$0x260];
	s30 =	sshra.s32 s31, $0x2  }
0x48: {  	s31 =	sadd.s32 $0x200, s31;
	v10 =	vld [tilespmem:s30+$0x8270];
	v3 =	vadd.f32 v13, v3;
	v13 =	vmul.f32 v15, v15;
	v14 =	vsub.f32 v14, v17  }
0x49: {  	v15 =	vld [tilespmem:s30+$0x270]  }
0x4a: {  	v16 =	vld [tilespmem:s30+$0x8200]  }
0x4b: {  	v17 =	vld [tilespmem:s30+$0x200]  }
0x4c: {  	v18 =	vld [tilespmem:s30+$0x8210]  }
0x4d: {  	v19 =	vld [tilespmem:s30+$0x210]  }
0x4e: {  	v20 =	vld [tilespmem:s30+$0x8220]  }
0x4f: {  	v21 =	vld [tilespmem:s30+$0x220]  }
0x50: {  	v22 =	vld [tilespmem:s30+$0x8230]  }
0x51: {  	v23 =	vld [tilespmem:s30+$0x230]  }
0x52: {  	v24 =	vld [tilespmem:s30+$0x8240]  }
0x53: {  	v25 =	vld [tilespmem:s30+$0x240]  }
0x54: {  	v26 =	vld [tilespmem:s30+$0x8250]  }
0x55: {  	v27 =	vld [tilespmem:s30+$0x250]  }
0x56: {  	v28 =	vld [tilespmem:s30+$0x8260]  }
0x57: {  	v29 =	vld [tilespmem:s30+$0x260];
	_ =	swait.ge [sflag:s22], $0x4000  }
0x58: {  	[sflag:s22] =	ssyncset.done $0x0  }
0x59: {  	[sflag:s22] =	ssyncadd.s32 $0xFFFFC000  }
0x5a: {  	_ =	swait.ge [sflag:s23], $0x4000  }
0x5b: {  	[sflag:s23] =	ssyncset.done $0x0  }
0x5c: {  	s31 =	simm.s32 $0x0;
	v8 =	vsub.f32 v8, v11;
	[sflag:s23] =	ssyncadd.s32 $0xFFFFC000  }
0x5d: {  	v11 =	vmul.f32 v14, v14;
	[tilespmem:s18], [sflag:$0x2] =	stream.indirect.gather [hbm4b:s2+s16], $0x80, s24, s16, $0xb8;
	[tilespmem:$0x18280] =	vst v63  }
0x5e: {  	v8 =	vmul.f32 v8, v8;
	v9 =	vsub.f32 v9, v12;
	v12 =	vld [tilespmem:s31+$0xC270]  }
0x5f: {  	v4 =	vadd.f32 v13, v4;
	v7 =	vadd.f32 v11, v7;
	v11 =	vld [tilespmem:s31+$0x4270]  }
0x60: {  	v10 =	vsub.f32 v10, v15;
	v6 =	vadd.f32 v8, v6;
	v8 =	vmul.f32 v9, v9;
	v9 =	vld [tilespmem:s31+$0xC200]  }
0x61: {  	v13 =	vsub.f32 v16, v17;
	v14 =	vsub.f32 v18, v19;
	v15 =	vld [tilespmem:s31+$0x4200]  }
0x62: {  	v5 =	vadd.f32 v8, v5;
	v8 =	vmul.f32 v10, v10;
	v10 =	vsub.f32 v20, v21;
	v54 =	vld [tilespmem:s31+$0xC210]  }
0x63: {  	v55 =	vsub.f32 v22, v23;
	v13 =	vmul.f32 v13, v13;
	v14 =	vmul.f32 v14, v14;
	v56 =	vld [tilespmem:s31+$0x4210]  }
0x64: {  	v57 =	vadd.f32 v8, v0;
	v0 =	vmul.f32 v10, v10;
	v8 =	vsub.f32 v24, v25;
	v10 =	vld [tilespmem:s31+$0xC220]  }
0x65: {  	v13 =	vadd.f32 v13, v1;
	v14 =	vadd.f32 v14, v2;
	v1 =	vmul.f32 v55, v55;
	v2 =	vld [tilespmem:s31+$0x4220]  }
0x66: {  	v59 =	vld [tilespmem:s31+$0xC230];
	v58 =	vadd.f32 v0, v3;
	v3 =	vmul.f32 v8, v8;
	v8 =	vsub.f32 v26, v27  }
0x67: {  	v60 =	vld [tilespmem:s31+$0x4230];
	v0 =	vadd.f32 v1, v4;
	v1 =	vsub.f32 v28, v29  }
0x68: {  	v61 =	vld [tilespmem:s31+$0xC240];
	v4 =	vadd.f32 v3, v7;
	v3 =	vmul.f32 v8, v8;
	v8 =	vsub.f32 v12, v11  }
0x69: {  	v9 =	vsub.f32 v9, v15;
	v15 =	vld [tilespmem:s31+$0x4240];
	v1 =	vmul.f32 v1, v1;
	v11 =	vsub.f32 v54, v56  }
0x6a: {  	v2 =	vsub.f32 v10, v2;
	v7 =	vadd.f32 v3, v6;
	v3 =	vmul.f32 v8, v8;
	v8 =	vld [tilespmem:s31+$0xC250]  }
0x6b: {  	v6 =	vadd.f32 v1, v5;
	v5 =	vmul.f32 v9, v9;
	v10 =	vmul.f32 v11, v11;
	v11 =	vld [tilespmem:s31+$0x4250]  }
0x6c: {  	v63 =	vsub.f32 v59, v60;
	v12 =	vld [tilespmem:s31+$0x4260];
	v62 =	vmul.f32 v2, v2;
	v1 =	vadd.f32 v3, v57  }
0x6d: {  	s30 =	simm.s32 $0x80;
	v9 =	vld [tilespmem:s31+$0xC260];
	v2 =	vadd.f32 v5, v13;
	v3 =	vadd.f32 v10, v14  }
0x6e: {  	s31 =	simm.s32 $0x400;
	v10 =	vld [tilespmem:s30+$0xC270];
	v13 =	vmul.f32 v63, v63;
	v14 =	vsub.f32 v61, v15;
	v5 =	vadd.f32 v62, v58  }
.LBB2_4:
0x6f: {  	p0 =	sne.s32 s31, $0xFE00;
	v15 =	vld [tilespmem:s30+$0x4270]  }
0x70: {  	v16 =	vld [tilespmem:s30+$0xC200];
	v0 =	vadd.f32 v13, v0;
	v13 =	vmul.f32 v14, v14;
	v8 =	vsub.f32 v8, v11  }
0x71: {  	v11 =	vld [tilespmem:s30+$0x4200]  }
0x72: {  	v14 =	vld [tilespmem:s30+$0xC210];
	v4 =	vadd.f32 v13, v4;
	v8 =	vmul.f32 v8, v8;
	v9 =	vsub.f32 v9, v12  }
0x73: {  	v12 =	vld [tilespmem:s30+$0x4210]  }
0x74: {  	v13 =	vld [tilespmem:s30+$0xC220];
	v10 =	vsub.f32 v10, v15;
	v7 =	vadd.f32 v8, v7;
	v8 =	vmul.f32 v9, v9  }
0x75: {  	v9 =	vld [tilespmem:s30+$0x4220]  }
0x76: {  	v11 =	vsub.f32 v16, v11;
	v15 =	vld [tilespmem:s30+$0xC230];
	v10 =	vmul.f32 v10, v10;
	v6 =	vadd.f32 v8, v6  }
0x77: {  	v16 =	vld [tilespmem:s30+$0x4230]  }
0x78: {  	v8 =	vmul.f32 v11, v11;
	v11 =	vsub.f32 v14, v12;
	v14 =	vld [tilespmem:s30+$0xC240];
	v1 =	vadd.f32 v10, v1  }
0x79: {  	v17 =	vld [tilespmem:s30+$0x4240]  }
.Ltmp1:
0x7a: {  	v2 =	vadd.f32 v8, v2;
	v10 =	vmul.f32 v11, v11;
	v9 =	vsub.f32 v13, v9;
	v8 =	vld [tilespmem:s30+$0xC250];
	(pc) =	sbr.rel @p0 .LBB2_4-.Ltmp1, $4  }
0x7b: {  	v11 =	vld [tilespmem:s30+$0x4250]  }
0x7c: {  	v3 =	vadd.f32 v10, v3;
	v13 =	vmul.f32 v9, v9;
	v15 =	vsub.f32 v15, v16;
	v9 =	vld [tilespmem:s30+$0xC260]  }
0x7d: {  	v12 =	vld [tilespmem:s30+$0x4260];
	s30 =	sshra.s32 s31, $0x2  }
0x7e: {  	s31 =	sadd.s32 $0x200, s31;
	v10 =	vld [tilespmem:s30+$0xC270];
	v5 =	vadd.f32 v13, v5;
	v13 =	vmul.f32 v15, v15;
	v14 =	vsub.f32 v14, v17  }
0x7f: {  	v15 =	vld [tilespmem:s30+$0x4270]  }
0x80: {  	v16 =	vld [tilespmem:s30+$0xC200]  }
0x81: {  	v17 =	vld [tilespmem:s30+$0x4200]  }
0x82: {  	v18 =	vld [tilespmem:s30+$0xC210]  }
0x83: {  	v19 =	vld [tilespmem:s30+$0x4210]  }
0x84: {  	v20 =	vld [tilespmem:s30+$0xC220]  }
0x85: {  	v21 =	vld [tilespmem:s30+$0x4220]  }
0x86: {  	v22 =	vld [tilespmem:s30+$0xC230]  }
0x87: {  	v23 =	vld [tilespmem:s30+$0x4230]  }
0x88: {  	v24 =	vld [tilespmem:s30+$0xC240]  }
0x89: {  	v25 =	vld [tilespmem:s30+$0x4240]  }
0x8a: {  	v26 =	vld [tilespmem:s30+$0xC250]  }
0x8b: {  	v27 =	vld [tilespmem:s30+$0x4250]  }
0x8c: {  	v28 =	vld [tilespmem:s30+$0xC260]  }
0x8d: {  	v29 =	vld [tilespmem:s30+$0x4260];
	_ =	swait.ge [sflag:s19], $0x4000  }
0x8e: {  	[sflag:s19] =	ssyncset.done $0x0  }
0x8f: {  	[sflag:s19] =	ssyncadd.s32 $0xFFFFC000  }
0x90: {  	_ =	swait.ge [sflag:s25], $0x4000  }
0x91: {  	v8 =	vsub.f32 v8, v11;
	[sflag:s25] =	ssyncset.done $0x0  }
0x92: {  	s31 =	simm.s32 $0x0;
	v11 =	vmul.f32 v14, v14;
	[sflag:s25] =	ssyncadd.s32 $0xFFFFC000  }
0x93: {  	v8 =	vmul.f32 v8, v8;
	v9 =	vsub.f32 v9, v12;
	v12 =	vld [tilespmem:s31+$0x10270]  }
0x94: {  	v4 =	vadd.f32 v11, v4;
	v11 =	vld [tilespmem:s31+$0x270]  }
0x95: {  	v7 =	vadd.f32 v8, v7;
	v8 =	vmul.f32 v9, v9;
	v9 =	vld [tilespmem:s31+$0x10200]  }
0x96: {  	v0 =	vadd.f32 v13, v0;
	v10 =	vsub.f32 v10, v15;
	v15 =	vld [tilespmem:s31+$0x200]  }
0x97: {  	v13 =	vsub.f32 v16, v17;
	v14 =	vsub.f32 v18, v19;
	v56 =	vld [tilespmem:s31+$0x10210]  }
0x98: {  	v58 =	vld [tilespmem:s31+$0x210];
	v6 =	vadd.f32 v8, v6;
	v8 =	vmul.f32 v10, v10;
	v10 =	vsub.f32 v20, v21  }
0x99: {  	v57 =	vsub.f32 v22, v23;
	v59 =	vld [tilespmem:s31+$0x10220];
	v13 =	vmul.f32 v13, v13;
	v14 =	vmul.f32 v14, v14  }
0x9a: {  	v60 =	vld [tilespmem:s31+$0x10230];
	v1 =	vadd.f32 v8, v1;
	v8 =	vmul.f32 v10, v10;
	v10 =	vsub.f32 v24, v25  }
0x9b: {  	v2 =	vadd.f32 v13, v2;
	v3 =	vadd.f32 v14, v3;
	v13 =	vmul.f32 v57, v57;
	v14 =	vld [tilespmem:s31+$0x220]  }
0x9c: {  	v61 =	vld [tilespmem:s31+$0x230];
	v5 =	vadd.f32 v8, v5;
	v8 =	vmul.f32 v10, v10;
	v10 =	vsub.f32 v26, v27  }
0x9d: {  	v62 =	vld [tilespmem:s31+$0x10240];
	v0 =	vadd.f32 v13, v0;
	v13 =	vsub.f32 v28, v29  }
0x9e: {  	v9 =	vsub.f32 v9, v15;
	v15 =	vld [tilespmem:s31+$0x240];
	v4 =	vadd.f32 v8, v4;
	v8 =	vmul.f32 v10, v10  }
0x9f: {  	v10 =	vsub.f32 v12, v11;
	v11 =	vmul.f32 v13, v13;
	v12 =	vsub.f32 v56, v58  }
0xa0: {  	v13 =	vsub.f32 v59, v14;
	v14 =	vmul.f32 v9, v9;
	v7 =	vadd.f32 v8, v7;
	v8 =	vld [tilespmem:s31+$0x10250]  }
0xa1: {  	v63 =	vsub.f32 v60, v61;
	v6 =	vadd.f32 v11, v6;
	v12 =	vmul.f32 v12, v12;
	v11 =	vld [tilespmem:s31+$0x250]  }
0xa2: {  	v9 =	vld [tilespmem:s31+$0x10260];
	v10 =	vmul.f32 v10, v10;
	v13 =	vmul.f32 v13, v13;
	v2 =	vadd.f32 v14, v2  }
0xa3: {  	s30 =	simm.s32 $0x80;
	v14 =	vsub.f32 v62, v15;
	v3 =	vadd.f32 v12, v3;
	v12 =	vld [tilespmem:s31+$0x260]  }
0xa4: {  	v1 =	vadd.f32 v10, v1;
	v10 =	vld [tilespmem:s30+$0x10270];
	s31 =	simm.s32 $0x400;
	v5 =	vadd.f32 v13, v5;
	v13 =	vmul.f32 v63, v63  }
.LBB2_6:
0xa5: {  	p0 =	sne.s32 s31, $0xFE00;
	v15 =	vld [tilespmem:s30+$0x270]  }
0xa6: {  	v16 =	vld [tilespmem:s30+$0x10200];
	v0 =	vadd.f32 v13, v0;
	v13 =	vmul.f32 v14, v14;
	v8 =	vsub.f32 v8, v11  }
0xa7: {  	v11 =	vld [tilespmem:s30+$0x200]  }
0xa8: {  	v14 =	vld [tilespmem:s30+$0x10210];
	v4 =	vadd.f32 v13, v4;
	v8 =	vmul.f32 v8, v8;
	v9 =	vsub.f32 v9, v12  }
0xa9: {  	v12 =	vld [tilespmem:s30+$0x210]  }
0xaa: {  	v13 =	vld [tilespmem:s30+$0x10220];
	v10 =	vsub.f32 v10, v15;
	v7 =	vadd.f32 v8, v7;
	v8 =	vmul.f32 v9, v9  }
0xab: {  	v9 =	vld [tilespmem:s30+$0x220]  }
0xac: {  	v11 =	vsub.f32 v16, v11;
	v15 =	vld [tilespmem:s30+$0x10230];
	v10 =	vmul.f32 v10, v10;
	v6 =	vadd.f32 v8, v6  }
0xad: {  	v16 =	vld [tilespmem:s30+$0x230]  }
0xae: {  	v8 =	vmul.f32 v11, v11;
	v11 =	vsub.f32 v14, v12;
	v14 =	vld [tilespmem:s30+$0x10240];
	v1 =	vadd.f32 v10, v1  }
0xaf: {  	v17 =	vld [tilespmem:s30+$0x240]  }
.Ltmp2:
0xb0: {  	v2 =	vadd.f32 v8, v2;
	v10 =	vmul.f32 v11, v11;
	v9 =	vsub.f32 v13, v9;
	v8 =	vld [tilespmem:s30+$0x10250];
	(pc) =	sbr.rel @p0 .LBB2_6-.Ltmp2, $4  }
0xb1: {  	v11 =	vld [tilespmem:s30+$0x250]  }
0xb2: {  	v3 =	vadd.f32 v10, v3;
	v13 =	vmul.f32 v9, v9;
	v15 =	vsub.f32 v15, v16;
	v9 =	vld [tilespmem:s30+$0x10260]  }
0xb3: {  	v12 =	vld [tilespmem:s30+$0x260];
	s30 =	sshra.s32 s31, $0x2  }
0xb4: {  	s31 =	sadd.s32 $0x200, s31;
	v10 =	vld [tilespmem:s30+$0x10270];
	v5 =	vadd.f32 v13, v5;
	v13 =	vmul.f32 v15, v15;
	v14 =	vsub.f32 v14, v17  }
0xb5: {  	v15 =	vld [tilespmem:s30+$0x270]  }
0xb6: {  	v16 =	vld [tilespmem:s30+$0x10200]  }
0xb7: {  	v17 =	vld [tilespmem:s30+$0x200]  }
0xb8: {  	v18 =	vld [tilespmem:s30+$0x10210]  }
0xb9: {  	v19 =	vld [tilespmem:s30+$0x210]  }
0xba: {  	v20 =	vld [tilespmem:s30+$0x10220]  }
0xbb: {  	v21 =	vld [tilespmem:s30+$0x220]  }
0xbc: {  	v22 =	vld [tilespmem:s30+$0x10230]  }
0xbd: {  	v23 =	vld [tilespmem:s30+$0x230]  }
0xbe: {  	v24 =	vld [tilespmem:s30+$0x10240]  }
0xbf: {  	v25 =	vld [tilespmem:s30+$0x240]  }
0xc0: {  	v26 =	vld [tilespmem:s30+$0x10250]  }
0xc1: {  	v27 =	vld [tilespmem:s30+$0x250]  }
0xc2: {  	v28 =	vld [tilespmem:s30+$0x10260]  }
0xc3: {  	v29 =	vld [tilespmem:s30+$0x260];
	_ =	swait.ge [sflag:s22], $0x4000  }
0xc4: {  	[sflag:s22] =	ssyncset.done $0x0  }
0xc5: {  	[sflag:s22] =	ssyncadd.s32 $0xFFFFC000  }
0xc6: {  	v8 =	vsub.f32 v8, v11;
	_ =	swait.ge [sflag:s26], $0x4000  }
0xc7: {  	v11 =	vmul.f32 v14, v14;
	[sflag:s26] =	ssyncset.done $0x0  }
0xc8: {  	s31 =	simm.s32 $0x0;
	v8 =	vmul.f32 v8, v8;
	v9 =	vsub.f32 v9, v12;
	[sflag:s26] =	ssyncadd.s32 $0xFFFFC000  }
0xc9: {  	v0 =	vadd.f32 v13, v0;
	v11 =	vadd.f32 v11, v4;
	v12 =	vld [tilespmem:s31+$0x14270]  }
0xca: {  	v4 =	vsub.f32 v10, v15;
	v7 =	vadd.f32 v8, v7;
	v8 =	vmul.f32 v9, v9;
	v13 =	vld [tilespmem:s31+$0x4270]  }
0xcb: {  	v10 =	vsub.f32 v16, v17;
	v14 =	vsub.f32 v18, v19;
	v9 =	vld [tilespmem:s31+$0x14200]  }
0xcc: {  	v15 =	vld [tilespmem:s31+$0x4200];
	v6 =	vadd.f32 v8, v6;
	v4 =	vmul.f32 v4, v4;
	v8 =	vsub.f32 v20, v21  }
0xcd: {  	v55 =	vsub.f32 v22, v23;
	v54 =	vld [tilespmem:s31+$0x14210];
	v10 =	vmul.f32 v10, v10  }
0xce: {  	v56 =	vld [tilespmem:s31+$0x4210];
	v14 =	vmul.f32 v14, v14;
	v57 =	vadd.f32 v4, v1;
	v1 =	vmul.f32 v8, v8  }
0xcf: {  	v4 =	vsub.f32 v24, v25;
	v8 =	vld [tilespmem:s31+$0x14220];
	v58 =	vadd.f32 v10, v2;
	v2 =	vmul.f32 v55, v55  }
0xd0: {  	v59 =	vsub.f32 v26, v27;
	v14 =	vadd.f32 v14, v3;
	v10 =	vld [tilespmem:s31+$0x4220]  }
0xd1: {  	v60 =	vld [tilespmem:s31+$0x14230];
	v5 =	vadd.f32 v1, v5;
	v1 =	vmul.f32 v4, v4;
	v4 =	vadd.f32 v2, v0  }
0xd2: {  	v61 =	vld [tilespmem:s31+$0x4230];
	v0 =	vsub.f32 v28, v29;
	v9 =	vsub.f32 v9, v15  }
0xd3: {  	v15 =	vld [tilespmem:s31+$0x4240];
	v3 =	vadd.f32 v1, v11;
	v1 =	vmul.f32 v59, v59;
	v11 =	vsub.f32 v12, v13  }
0xd4: {  	v13 =	vld [tilespmem:s31+$0x14240];
	v0 =	vmul.f32 v0, v0;
	v12 =	vsub.f32 v54, v56  }
0xd5: {  	v8 =	vsub.f32 v8, v10;
	v10 =	vld [tilespmem:s31+$0x14250];
	v2 =	vadd.f32 v1, v7;
	v7 =	vmul.f32 v11, v11  }
0xd6: {  	v1 =	vadd.f32 v0, v6;
	v6 =	vmul.f32 v9, v9;
	v11 =	vmul.f32 v12, v12;
	v12 =	vld [tilespmem:s31+$0x4250]  }
0xd7: {  	v63 =	vsub.f32 v60, v61;
	v9 =	vld [tilespmem:s31+$0x14260];
	v62 =	vmul.f32 v8, v8;
	v0 =	vadd.f32 v7, v57  }
0xd8: {  	s30 =	simm.s32 $0x80;
	v6 =	vadd.f32 v6, v58;
	v7 =	vadd.f32 v11, v14;
	v11 =	vld [tilespmem:s31+$0x4260]  }
0xd9: {  	v8 =	vld [tilespmem:s30+$0x14270];
	s31 =	simm.s32 $0x400;
	v14 =	vmul.f32 v63, v63;
	v5 =	vadd.f32 v62, v5;
	v13 =	vsub.f32 v13, v15  }
.LBB2_8:
0xda: {  	p0 =	sne.s32 s31, $0xFE00;
	v15 =	vld [tilespmem:s30+$0x4270]  }
0xdb: {  	v16 =	vld [tilespmem:s30+$0x14200];
	v4 =	vadd.f32 v14, v4;
	v13 =	vmul.f32 v13, v13;
	v10 =	vsub.f32 v10, v12  }
0xdc: {  	v12 =	vld [tilespmem:s30+$0x4200]  }
0xdd: {  	v14 =	vld [tilespmem:s30+$0x14210];
	v3 =	vadd.f32 v13, v3;
	v10 =	vmul.f32 v10, v10;
	v9 =	vsub.f32 v9, v11  }
0xde: {  	v11 =	vld [tilespmem:s30+$0x4210]  }
0xdf: {  	v13 =	vld [tilespmem:s30+$0x14220];
	v8 =	vsub.f32 v8, v15;
	v2 =	vadd.f32 v10, v2;
	v9 =	vmul.f32 v9, v9  }
0xe0: {  	v10 =	vld [tilespmem:s30+$0x4220]  }
0xe1: {  	v12 =	vsub.f32 v16, v12;
	v15 =	vld [tilespmem:s30+$0x14230];
	v8 =	vmul.f32 v8, v8;
	v1 =	vadd.f32 v9, v1  }
0xe2: {  	v9 =	vld [tilespmem:s30+$0x4230]  }
0xe3: {  	v12 =	vmul.f32 v12, v12;
	v11 =	vsub.f32 v14, v11;
	v16 =	vld [tilespmem:s30+$0x14240];
	v0 =	vadd.f32 v8, v0  }
0xe4: {  	v17 =	vld [tilespmem:s30+$0x4240]  }
.Ltmp3:
0xe5: {  	v6 =	vadd.f32 v12, v6;
	v8 =	vmul.f32 v11, v11;
	v11 =	vsub.f32 v13, v10;
	v10 =	vld [tilespmem:s30+$0x14250];
	(pc) =	sbr.rel @p0 .LBB2_8-.Ltmp3, $4  }
0xe6: {  	v12 =	vld [tilespmem:s30+$0x4250]  }
0xe7: {  	v7 =	vadd.f32 v8, v7;
	v13 =	vmul.f32 v11, v11;
	v14 =	vsub.f32 v15, v9;
	v9 =	vld [tilespmem:s30+$0x14260]  }
0xe8: {  	v11 =	vld [tilespmem:s30+$0x4260];
	s30 =	sshra.s32 s31, $0x2  }
0xe9: {  	s31 =	sadd.s32 $0x200, s31;
	v8 =	vld [tilespmem:s30+$0x14270];
	v5 =	vadd.f32 v13, v5;
	v14 =	vmul.f32 v14, v14;
	v13 =	vsub.f32 v16, v17  }
0xea: {  	v15 =	vld [tilespmem:s30+$0x14200]  }
0xeb: {  	v16 =	vld [tilespmem:s30+$0x4200]  }
0xec: {  	v17 =	vld [tilespmem:s30+$0x14210]  }
0xed: {  	v18 =	vld [tilespmem:s30+$0x4210]  }
0xee: {  	v19 =	vld [tilespmem:s30+$0x14220]  }
0xef: {  	v20 =	vld [tilespmem:s30+$0x4220]  }
0xf0: {  	v21 =	vld [tilespmem:s30+$0x14230]  }
0xf1: {  	v22 =	vld [tilespmem:s30+$0x4230]  }
0xf2: {  	v23 =	vld [tilespmem:s30+$0x14240]  }
0xf3: {  	v44 =	vld [tilespmem:s30+$0x4240];
	v15 =	vsub.f32 v15, v16;
	v43 =	vsub.f32 v17, v18  }
0xf4: {  	v49 =	vld [tilespmem:s30+$0x14250];
	v4 =	vadd.f32 v14, v4  }
0xf5: {  	v51 =	vld [tilespmem:s30+$0x4250];
	v48 =	vsub.f32 v19, v20;
	v46 =	vmul.f32 v15, v15;
	v47 =	vmul.f32 v43, v43  }
0xf6: {  	v53 =	vld [tilespmem:s30+$0x14260];
	v10 =	vsub.f32 v10, v12;
	v45 =	vmul.f32 v13, v13;
	v50 =	vsub.f32 v21, v22  }
0xf7: {  	v55 =	vld [tilespmem:s30+$0x4260];
	v52 =	vmul.f32 v48, v48;
	v6 =	vadd.f32 v46, v6;
	v7 =	vadd.f32 v47, v7  }
0xf8: {  	v3 =	vadd.f32 v45, v3;
	v54 =	vsub.f32 v23, v44  }
0xf9: {  	v56 =	vld [tilespmem:s30+$0x4270];
	v12 =	vmul.f32 v50, v50;
	v5 =	vadd.f32 v52, v5;
	v6 =	vadd.f32 v7, v6  }
0xfa: {  	v9 =	vsub.f32 v9, v11;
	v10 =	vmul.f32 v10, v10;
	v57 =	vsub.f32 v49, v51  }
0xfb: {  	v11 =	vmul.f32 v54, v54;
	v4 =	vadd.f32 v12, v4;
	v5 =	vadd.f32 v5, v6  }
0xfc: {  	v2 =	vadd.f32 v10, v2;
	v58 =	vmul.f32 v9, v9;
	v60 =	vsub.f32 v53, v55  }
0xfd: {  	v59 =	vmul.f32 v57, v57;
	v3 =	vadd.f32 v11, v3;
	v4 =	vadd.f32 v4, v5  }
0xfe: {  	v61 =	vsub.f32 v8, v56;
	v1 =	vadd.f32 v58, v1  }
0xff: {  	v62 =	vmul.f32 v60, v60;
	v2 =	vadd.f32 v59, v2;
	v3 =	vadd.f32 v3, v4;
	_ =	sdelay $0x1  }
0x100: {  	v63 =	vmul.f32 v61, v61;
	v1 =	vadd.f32 v62, v1;
	v2 =	vadd.f32 v2, v3;
	_ =	sdelay $0x1  }
0x101: {  	v0 =	vadd.f32 v63, v0;
	v1 =	vadd.f32 v1, v2;
	_ =	sdelay $0x1  }
0x102: {  	s29 =	sadd.s32 $0x1, s29;
	v0 =	vadd.f32 v0, v1  }
0x103: {  	p0 =	sne.s32 s29, s10  }
.Ltmp4:
0x104: {  	[tilespmem:$0x18200] =	vst v0;
	(pc) =	sbr.rel @p0 .LBB2_1-.Ltmp4, $4  }
0x105: {  	[hbm4b:s9+s3] =	stream.linear.scatter [tilespmem:s28], [sflag:$0x7], $0x10, $0x38;
	[tilespmem:$0x18280] =	vst v63  }
0x106: {  	_ =	swait.ge [sflag:s15], $0x10  }
0x107: {  	[sflag:s15] =	ssyncset.done $0x0  }
0x108: {  	[sflag:s15] =	ssyncadd.s32 $0xFFFFFFF0  }
0x109: {  	_ =	sfence.sel $0x180000  }
0x10a: {  	[bflag:$0x0] =	sbarrier.arrive $0xFFFF  }
0x10b: {  	p0 =	sne.s32 s0, $0x0;
	_ =	strace $0x90000047  }
0x10c: {  	s0 =	sadd.s32 @!p0 $0x100000, s1;
	[bflag:$0x2] =	sbarrier.arrive $0xFFFF  }
0x10d: {  	[sflag:s0] =	ssyncadd.tile.s32 @!p0 $0x1;
	_ =	shalt  }
.Lfunc_end2:
_tile_overlayer_lowered:
.L_overlay_start_2:
0x10e: {  	(tag) =	ssettag $0x2  }
0x10f: {  	s0 =	rddreg [dreg:$0x0];
	s2 =	stileid.u32  }
0x110: {  	s1 =	rddreg [dreg:$0x1];
	p0 =	sne.s32 s2, $0x0  }
0x111: {  	s3 =	rddreg [dreg:$0x2];
	[bflag:$0x3] =	sbarrier.arrive $0xFFFF;
	s2 =	simm.s32 @!p0 $0x1C07  }
0x112: {  	[timem:s3], [sflag:s2] =	dma.local @!p0 [hbm:s0], s1  }
0x113: {  	s0 =	simm.s32 @!p0 $0x7  }
0x114: {  	_ =	swait.ge @!p0 [sflag:s0], s1  }
0x115: {  	s1 =	ssub.s32 @!p0 $0x0, s1;
	[sflag:s0] =	ssyncset.done @!p0 $0x0  }
0x116: {  	[sflag:s0] =	ssyncadd.s32 @!p0 s1  }
0x117: {  	[bflag:$0x3] =	sbarrier.arrive $0xFFFF  }
0x118: {  	_ =	shalt  }

</sc_bundles>
